<compile_context>
chip_gen: v7x
topology: tpu7x:2x2x1
jax: 0.10.2.dev20260603
libtpu: 0.0.44.dev20260713+nightly
codegen_flags: <defaults>
</compile_context>

<pallas_src>
import functools

import jax
import jax.numpy as jnp
from jax import lax
from jax.experimental import pallas as pl
from jax.experimental.pallas import tpu as pltpu
from jax.experimental.pallas import tpu_sc as plsc

B = 4096
E = 200
EP = 256
H = 50
L = 16
NC, NS = 2, 16
NW = NC * NS
BPW = B // NW
NBLK = 13
NP = 100096
NBIAS = NP // 128
TCOL = 2176
TGRID = NP // TCOL
GM = 3.5

_MESH = plsc.VectorSubcoreMesh(core_axis_name="c", subcore_axis_name="s")
_CP = pltpu.CompilerParams(
    needs_layout_passes=False, use_tc_tiling_on_sc=False
)


def _splat1(ref, i):
    return plsc.load_gather(ref, [jnp.full((L,), i, jnp.int32)])


def _linear_table(x):
    xt = x.T

    def body(xa_ref, xb_ref, o_ref):
        bt = xb_ref[...].T
        col = lax.broadcasted_iota(jnp.int32, (TCOL, 128), 1)
        bt = jnp.where(col < E - 128, bt, 0.0)
        rows = jnp.concatenate([xa_ref[...].T, bt], axis=1)
        o_ref[...] = rows.reshape(TCOL * EP)

    return pl.pallas_call(
        body,
        grid=(TGRID,),
        in_specs=[
            pl.BlockSpec((128, TCOL), lambda i: (0, i)),
            pl.BlockSpec((128, TCOL), lambda i: (1, i)),
        ],
        out_specs=pl.BlockSpec((TCOL * EP,), lambda i: (i,)),
        out_shape=jax.ShapeDtypeStruct((NP * EP,), jnp.float32),
    )(xt, xt)


def _ysum_sc(mr1, Yt):

    @functools.partial(
        pl.kernel,
        out_type=jax.ShapeDtypeStruct((B, EP), jnp.float32),
        mesh=_MESH,
        compiler_params=_CP,
        scratch_types=[
            pltpu.VMEM((BPW, H), jnp.int32),
            pltpu.VMEM((H, EP), jnp.float32),
            pltpu.VMEM((H, EP), jnp.float32),
            pltpu.VMEM((BPW, EP), jnp.float32),
            pltpu.SemaphoreType.DMA,
            pltpu.SemaphoreType.DMA,
        ],
    )
    def kern(mr_h, y_h, out_h, mr_v, ybuf0, ybuf1, ysv, sem0, sem1):
        wid = lax.axis_index("s") * NC + lax.axis_index("c")
        base = wid * BPW

        pltpu.sync_copy(mr_h.at[pl.ds(base, BPW)], mr_v)
        pltpu.async_copy(y_h.at[mr_v.at[0]], ybuf0, sem0)
        zero = jnp.zeros((L,), jnp.float32)

        def compute(b, ybuf):
            def row_body(h, accs):
                return tuple(
                    accs[j] + ybuf[h, pl.ds(16 * j, L)] for j in range(NBLK)
                )

            accs = lax.fori_loop(0, H, row_body, (zero,) * NBLK)
            for j in range(NBLK):
                ysv[b, pl.ds(16 * j, L)] = accs[j]

        @pl.loop(0, BPW, step=2)
        def _(g):
            pltpu.async_copy(y_h.at[mr_v.at[g + 1]], ybuf1, sem1)
            pltpu.make_async_copy(y_h.at[mr_v.at[g]], ybuf0, sem0).wait()
            compute(g, ybuf0)

            @pl.when(g + 2 < BPW)
            def _():
                pltpu.async_copy(y_h.at[mr_v.at[g + 2]], ybuf0, sem0)

            pltpu.make_async_copy(
                y_h.at[mr_v.at[g + 1]], ybuf1, sem1
            ).wait()
            compute(g + 1, ybuf1)

        pltpu.sync_copy(ysv, out_h.at[pl.ds(base, BPW)])

    return kern(mr1, Yt)


def _combine_sc(user, movie, sq, iku, ikm, Bu2, Bi2, Pt, Qt, ysum):

    @functools.partial(
        pl.kernel,
        out_type=jax.ShapeDtypeStruct((B,), jnp.float32),
        mesh=_MESH,
        compiler_params=_CP,
        scratch_types=[
            pltpu.VMEM((BPW,), jnp.int32),
            pltpu.VMEM((BPW,), jnp.int32),
            pltpu.VMEM((BPW,), jnp.float32),
            pltpu.VMEM((BPW,), jnp.float32),
            pltpu.VMEM((BPW,), jnp.float32),
            pltpu.VMEM((BPW,), jnp.int32),
            pltpu.VMEM((BPW, 128), jnp.float32),
            pltpu.VMEM((BPW,), jnp.float32),
            pltpu.VMEM((BPW,), jnp.float32),
            pltpu.VMEM((BPW, EP), jnp.float32),
            pltpu.VMEM((BPW, EP), jnp.float32),
            pltpu.VMEM((BPW, EP), jnp.float32),
            pltpu.VMEM((BPW,), jnp.float32),
            pltpu.SemaphoreType.DMA,
        ],
    )
    def kern(user_h, movie_h, sq_h, iku_h, ikm_h, bu_h, bi_h, p_h, q_h,
             ys_h, out_h, uidx, midx, sq_v, iku_v, ikm_v, rowi, biasbuf,
             bu_val, bi_val, p_v, q_v, ys_v, outv, sem_pre):
        wid = lax.axis_index("s") * NC + lax.axis_index("c")
        base = wid * BPW

        pltpu.sync_copy(user_h.at[pl.ds(base, BPW)], uidx)
        pltpu.sync_copy(movie_h.at[pl.ds(base, BPW)], midx)
        pltpu.sync_copy(sq_h.at[pl.ds(base, BPW)], sq_v)
        pltpu.sync_copy(iku_h.at[pl.ds(base, BPW)], iku_v)
        pltpu.sync_copy(ikm_h.at[pl.ds(base, BPW)], ikm_v)

        hp = pltpu.async_copy(p_h.at[uidx], p_v, sem_pre)
        hq = pltpu.async_copy(q_h.at[midx], q_v, sem_pre)
        hy = pltpu.async_copy(ys_h.at[pl.ds(base, BPW)], ys_v, sem_pre)

        lane = lax.iota(jnp.int32, L)
        tail_mask = lane < (E - 16 * (NBLK - 1))
        zero = jnp.zeros((L,), jnp.float32)

        def bias_values(idx_v, table_h, val_v):
            @pl.loop(0, BPW, step=L)
            def _(t):
                rowi[pl.ds(t, L)] = lax.shift_right_logical(
                    idx_v[pl.ds(t, L)], 7
                )

            pltpu.async_copy(table_h.at[rowi], biasbuf, sem_pre).wait()

            @pl.loop(0, BPW, step=L)
            def _(t):
                lanes = jnp.bitwise_and(idx_v[pl.ds(t, L)], 127)
                val_v[pl.ds(t, L)] = plsc.load_gather(
                    biasbuf, [lane + t, lanes]
                )

        bias_values(uidx, bu_h, bu_val)
        bias_values(midx, bi_h, bi_val)

        hp.wait()
        hq.wait()
        hy.wait()

        @pl.loop(0, BPW)
        def _(b):
            iku_s = _splat1(iku_v, b)
            ikm_s = _splat1(ikm_v, b)
            sq_s = _splat1(sq_v, b)
            ysc = iku_s / sq_s
            tsum = zero
            for j in range(NBLK - 1):
                pj = p_v[b, pl.ds(16 * j, L)]
                qj = q_v[b, pl.ds(16 * j, L)]
                yj = ys_v[b, pl.ds(16 * j, L)]
                tsum = tsum + qj * (pj * iku_s + yj * ysc)
            pj = p_v[b, pl.ds(16 * (NBLK - 1), L)]
            qj = q_v[b, pl.ds(16 * (NBLK - 1), L)]
            yj = ys_v[b, pl.ds(16 * (NBLK - 1), L)]
            tt = qj * (pj * iku_s + yj * ysc)
            tsum = tsum + jnp.where(tail_mask, tt, zero)
            dot = jnp.sum(tsum)
            bu_s = _splat1(bu_val, b)
            bi_s = _splat1(bi_val, b)
            r = ikm_s * jnp.full((L,), dot, jnp.float32) \
                + bi_s * ikm_s + bu_s * iku_s + GM
            plsc.store_scatter(
                outv, [jnp.full((L,), b, jnp.int32)], r, mask=(lane == 0)
            )

        pltpu.sync_copy(outv, out_h.at[pl.ds(base, BPW)])

    return kern(user, movie, sq, iku, ikm, Bu2, Bi2, Pt, Qt, ysum)


@jax.jit
def kernel(user, movie, movies_rated_by_this_user, users_who_rated_this_movie,
           sqrt_of_number_of_movies_rated_by_this_user,
           sqrt_of_number_of_users_who_rated_this_movie,
           is_known_user, is_known_movie, Bu, Bi, P, Q, Y):
    del users_who_rated_this_movie, sqrt_of_number_of_users_who_rated_this_movie
    sq = sqrt_of_number_of_movies_rated_by_this_user.reshape(B)
    iku = is_known_user.reshape(B)
    ikm = is_known_movie.reshape(B)

    Yt = _linear_table(Y).reshape(NP, EP)
    ysum = _ysum_sc(movies_rated_by_this_user.astype(jnp.int32), Yt)
    Pt = _linear_table(P).reshape(NP, EP)
    Qt = _linear_table(Q).reshape(NP, EP)

    Bu2 = jnp.pad(Bu.reshape(-1), (0, NP - Bu.shape[0])).reshape(NBIAS, 128)
    Bi2 = jnp.pad(Bi.reshape(-1), (0, NP - Bi.shape[0])).reshape(NBIAS, 128)

    return _combine_sc(user.astype(jnp.int32), movie.astype(jnp.int32),
                       sq, iku, ikm, Bu2, Bi2, Pt, Qt, ysum)

# --- scband reference (transcript-rebuilt; emitter-appended) ---
"""Pipeline reference for scband-svdpp-54589034332564 (READ-ONLY COPY).

The authoritative reference and input builder live on the scoring server;
editing this copy changes nothing except your own understanding.
"""

import jax, jax.numpy as jnp
import numpy as np

NUM_USERS = 100000
NUM_MOVIES = 100000
EMB = 200
B = 4096
H = 50
MEAN_INIT = 0.2
STD_INIT = 0.001
GLOBAL_MEAN = 3.5


def setup_inputs(seed: int = 0) -> dict:
    key = jax.random.key(seed)
    ks = jax.random.split(key, 9)
    user = jax.random.randint(ks[0], (B,), 0, NUM_USERS)
    movie = jax.random.randint(ks[1], (B,), 0, NUM_MOVIES)
    movies_rated_by_this_user = jax.random.randint(ks[2], (B, H), 0, NUM_MOVIES + 1)
    users_who_rated_this_movie = jax.random.randint(ks[3], (B, H), 0, NUM_USERS)
    sqrt_of_number_of_movies_rated_by_this_user = jnp.ones((B, 1), jnp.float32)
    sqrt_of_number_of_users_who_rated_this_movie = jnp.ones((B, 1), jnp.float32)
    is_known_user = jnp.ones((B, 1), jnp.float32)
    is_known_movie = jnp.ones((B, 1), jnp.float32)
    Bu = MEAN_INIT + STD_INIT * jax.random.normal(ks[4], (NUM_USERS, 1), dtype=jnp.float32)
    Bi = MEAN_INIT + STD_INIT * jax.random.normal(ks[5], (NUM_MOVIES, 1), dtype=jnp.float32)
    P = MEAN_INIT + STD_INIT * jax.random.normal(ks[6], (NUM_USERS, EMB), dtype=jnp.float32)
    Q = MEAN_INIT + STD_INIT * jax.random.normal(ks[7], (NUM_MOVIES, EMB), dtype=jnp.float32)
    Y = MEAN_INIT + STD_INIT * jax.random.normal(ks[8], (NUM_MOVIES + 1, EMB), dtype=jnp.float32)
    Y = Y.at[0].set(0.0)  # padding_idx=0
    return {
        'user': user,
        'movie': movie,
        'movies_rated_by_this_user': movies_rated_by_this_user,
        'users_who_rated_this_movie': users_who_rated_this_movie,
        'sqrt_of_number_of_movies_rated_by_this_user': sqrt_of_number_of_movies_rated_by_this_user,
        'sqrt_of_number_of_users_who_rated_this_movie': sqrt_of_number_of_users_who_rated_this_movie,
        'is_known_user': is_known_user,
        'is_known_movie': is_known_movie,
        'Bu': Bu,
        'Bi': Bi,
        'P': P,
        'Q': Q,
        'Y': Y,
    }


def reference(user, movie, movies_rated_by_this_user, users_who_rated_this_movie,
              sqrt_of_number_of_movies_rated_by_this_user,
              sqrt_of_number_of_users_who_rated_this_movie,
              is_known_user, is_known_movie, Bu, Bi, P, Q, Y):
    gm = GLOBAL_MEAN
    bu = jnp.take(Bu, user, axis=0)          # [B, 1]
    bu = is_known_user * bu                   # eval-mode masking
    bi = jnp.take(Bi, movie, axis=0)          # [B, 1]
    bi = is_known_movie * bi
    p = jnp.take(P, user, axis=0)             # [B, E]
    p = is_known_user * p
    q = jnp.take(Q, movie, axis=0)            # [B, E]
    q = is_known_movie * q
    y = jnp.take(Y, movies_rated_by_this_user, axis=0)  # [B, H, E]
    y = y.sum(axis=1) / sqrt_of_number_of_movies_rated_by_this_user  # [B, E]
    y = is_known_user * y
    result = (q * (p + y)).sum(axis=1) + jnp.squeeze(bi, axis=-1) + jnp.squeeze(bu, axis=-1) + gm
    return result

if __name__ == "__main__":
    import jax
    _d = setup_inputs()
    print(jax.jit(kernel)(*tuple(_d.values())))

</pallas_src>

<mosaic_0001>
#map = affine_map<(d0, d1) -> (0, 0)>
module attributes {stable_mosaic.version = 14 : i64} {
  func.func @kern(%arg0: i32, %arg1: i32, %arg2: memref<4096x50xi32, #tpu.memory_space<hbm>>, %arg3: memref<100096x256xf32, #tpu.memory_space<hbm>>, %arg4: memref<4096x256xf32, #tpu.memory_space<hbm>>, %arg5: memref<128x50xi32, #tpu.memory_space<vmem>>, %arg6: memref<50x256xf32, #tpu.memory_space<vmem>>, %arg7: memref<50x256xf32, #tpu.memory_space<vmem>>, %arg8: memref<128x256xf32, #tpu.memory_space<vmem>>, %arg9: memref<!tpu.dma_semaphore, #tpu.memory_space<semaphore_mem>>, %arg10: memref<!tpu.dma_semaphore, #tpu.memory_space<semaphore_mem>>) attributes {dimension_semantics = [#tpu.dimension_semantics<core_parallel>, #tpu.dimension_semantics<subcore_parallel>], iteration_bounds = array<i64: 2, 16>, scalar_prefetch = 0 : i64, scratch_operands = 6 : i64, tpu.core_type = #tpu.core_type<sc_vector_subcore>, window_params = [{transform_indices = #map}, {transform_indices = #map}, {transform_indices = #map}]} {
    %mul3A = arith.constant 2 : i32
    %mul3A_0 = arith.muli %arg1, %mul3A : i32
    %add3A = arith.addi %mul3A_0, %arg0 : i32
    %mul3A_1 = arith.constant 128 : i32
    %mul3A_2 = arith.muli %add3A, %mul3A_1 : i32
    "tpu.region"() ({
      %run_scoped3A = tpu.sem_alloc : memref<!tpu.dma_semaphore, #tpu.memory_space<semaphore_mem>>
      %dma_start3A_14 = arith.constant 0 : i32
      %dma_start3A_15 = tpu.memref_slice %arg2[%mul3A_2, %dma_start3A_14] : memref<4096x50xi32, #tpu.memory_space<hbm>> -> memref<128x50xi32, #tpu.memory_space<hbm>>
      %dma_start3A_16 = arith.constant 0 : i32
      %dma_start3A_17 = tpu.memref_slice %arg2[%mul3A_2, %dma_start3A_16] : memref<4096x50xi32, #tpu.memory_space<hbm>> -> memref<128x50xi32, #tpu.memory_space<hbm>>
      tpu.enqueue_dma source(%dma_start3A_17 : memref<128x50xi32, #tpu.memory_space<hbm>>) target(%arg5 : memref<128x50xi32, #tpu.memory_space<vmem>>) target_semaphore(%run_scoped3A : memref<!tpu.dma_semaphore, #tpu.memory_space<semaphore_mem>>)
      %dma_wait3A = arith.constant 0 : i32
      %dma_wait3A_18 = tpu.memref_slice %arg2[%mul3A_2, %dma_wait3A] : memref<4096x50xi32, #tpu.memory_space<hbm>> -> memref<128x50xi32, #tpu.memory_space<hbm>>
      %dma_wait3A_19 = arith.constant 0 : i32
      %dma_wait3A_20 = tpu.memref_slice %arg2[%mul3A_2, %dma_wait3A_19] : memref<4096x50xi32, #tpu.memory_space<hbm>> -> memref<128x50xi32, #tpu.memory_space<hbm>>
      tpu.wait_dma2 semaphore(%run_scoped3A : memref<!tpu.dma_semaphore, #tpu.memory_space<semaphore_mem>>) src(%dma_wait3A_20 : memref<128x50xi32, #tpu.memory_space<hbm>>) dst(%arg5 : memref<128x50xi32, #tpu.memory_space<vmem>>)
      tpu.yield
    }) : () -> ()
    %dma_start3A = arith.constant 0 : i32
    %dma_start3A_3 = arith.constant 0 : i32
    %dma_start3A_4 = tpu.memref_slice %arg5[%dma_start3A, %dma_start3A_3] : memref<128x50xi32, #tpu.memory_space<vmem>> -> memref<1x50xi32, #tpu.memory_space<vmem>>
    %dma_start3A_5 = tpu.memref_squeeze %dma_start3A_4 : memref<1x50xi32, #tpu.memory_space<vmem>> -> memref<50xi32, #tpu.memory_space<vmem>>
    %dma_start3A_6 = arith.constant 0 : i32
    %dma_start3A_7 = arith.constant 0 : i32
    %dma_start3A_8 = tpu.memref_slice %arg3[%dma_start3A_6, %dma_start3A_7] : memref<100096x256xf32, #tpu.memory_space<hbm>> -> memref<100096x256xf32, #tpu.memory_space<hbm>>
    tpu.enqueue_indirect_dma source(%dma_start3A_8 : memref<100096x256xf32, #tpu.memory_space<hbm>>) target(%arg6 : memref<50x256xf32, #tpu.memory_space<vmem>>) offsets(%dma_start3A_5 : memref<50xi32, #tpu.memory_space<vmem>>) semaphore(%arg9 : memref<!tpu.dma_semaphore, #tpu.memory_space<semaphore_mem>>)
    %broadcast_in_dim3A = arith.constant 0.000000e+00 : f32
    %broadcast_in_dim3A_9 = vector.broadcast %broadcast_in_dim3A : f32 to vector<16xf32>
    %scan3A = arith.constant 0 : i32
    %scan3A_10 = arith.constant 64 : i32
    %scan3A_11 = arith.addi %scan3A, %scan3A_10 : i32
    %scan3A_12 = arith.constant 1 : i32
    scf.for %scan3A_14 = %scan3A to %scan3A_11 step %scan3A_12  : i32 {
      %mul3A_15 = arith.constant 2 : i32
      %mul3A_16 = arith.muli %scan3A_14, %mul3A_15 : i32
      %add3A_17 = arith.constant 0 : i32
      %add3A_18 = arith.addi %add3A_17, %mul3A_16 : i32
      %add3A_19 = arith.constant 1 : i32
      %add3A_20 = arith.addi %add3A_18, %add3A_19 : i32
      %dma_start3A_21 = arith.constant 0 : i32
      %dma_start3A_22 = tpu.memref_slice %arg5[%add3A_20, %dma_start3A_21] : memref<128x50xi32, #tpu.memory_space<vmem>> -> memref<1x50xi32, #tpu.memory_space<vmem>>
      %dma_start3A_23 = tpu.memref_squeeze %dma_start3A_22 : memref<1x50xi32, #tpu.memory_space<vmem>> -> memref<50xi32, #tpu.memory_space<vmem>>
      %dma_start3A_24 = arith.constant 0 : i32
      %dma_start3A_25 = arith.constant 0 : i32
      %dma_start3A_26 = tpu.memref_slice %arg3[%dma_start3A_24, %dma_start3A_25] : memref<100096x256xf32, #tpu.memory_space<hbm>> -> memref<100096x256xf32, #tpu.memory_space<hbm>>
      tpu.enqueue_indirect_dma source(%dma_start3A_26 : memref<100096x256xf32, #tpu.memory_space<hbm>>) target(%arg7 : memref<50x256xf32, #tpu.memory_space<vmem>>) offsets(%dma_start3A_23 : memref<50xi32, #tpu.memory_space<vmem>>) semaphore(%arg10 : memref<!tpu.dma_semaphore, #tpu.memory_space<semaphore_mem>>)
      %dma_wait3A = arith.constant 0 : i32
      %dma_wait3A_27 = tpu.memref_slice %arg5[%add3A_18, %dma_wait3A] : memref<128x50xi32, #tpu.memory_space<vmem>> -> memref<1x50xi32, #tpu.memory_space<vmem>>
      %dma_wait3A_28 = tpu.memref_squeeze %dma_wait3A_27 : memref<1x50xi32, #tpu.memory_space<vmem>> -> memref<50xi32, #tpu.memory_space<vmem>>
      %dma_wait3A_29 = arith.constant 0 : i32
      %dma_wait3A_30 = arith.constant 0 : i32
      %dma_wait3A_31 = tpu.memref_slice %arg3[%dma_wait3A_29, %dma_wait3A_30] : memref<100096x256xf32, #tpu.memory_space<hbm>> -> memref<100096x256xf32, #tpu.memory_space<hbm>>
      tpu.wait_indirect_dma semaphore(%arg9 : memref<!tpu.dma_semaphore, #tpu.memory_space<semaphore_mem>>) src(%dma_wait3A_31 : memref<100096x256xf32, #tpu.memory_space<hbm>>) dst(%arg6 : memref<50x256xf32, #tpu.memory_space<vmem>>)
      %scan3A_32 = arith.constant 0 : i32
      %scan3A_33 = arith.constant 50 : i32
      %scan3A_34 = arith.addi %scan3A_32, %scan3A_33 : i32
      %scan3A_35 = arith.constant 1 : i32
      %scan3A_36:13 = scf.for %scan3A_135 = %scan3A_32 to %scan3A_34 step %scan3A_35 iter_args(%scan3A_136 = %broadcast_in_dim3A_9, %scan3A_137 = %broadcast_in_dim3A_9, %scan3A_138 = %broadcast_in_dim3A_9, %scan3A_139 = %broadcast_in_dim3A_9, %scan3A_140 = %broadcast_in_dim3A_9, %scan3A_141 = %broadcast_in_dim3A_9, %scan3A_142 = %broadcast_in_dim3A_9, %scan3A_143 = %broadcast_in_dim3A_9, %scan3A_144 = %broadcast_in_dim3A_9, %scan3A_145 = %broadcast_in_dim3A_9, %scan3A_146 = %broadcast_in_dim3A_9, %scan3A_147 = %broadcast_in_dim3A_9, %scan3A_148 = %broadcast_in_dim3A_9) -> (vector<16xf32>, vector<16xf32>, vector<16xf32>, vector<16xf32>, vector<16xf32>, vector<16xf32>, vector<16xf32>, vector<16xf32>, vector<16xf32>, vector<16xf32>, vector<16xf32>, vector<16xf32>, vector<16xf32>)  : i32 {
        %get3A = arith.index_cast %scan3A_135 : i32 to index
        %get3A_149 = arith.constant 0 : index
        %get3A_150 = tpu.vector_load %arg6[%get3A, %get3A_149] {strides = array<i32>} : memref<50x256xf32, #tpu.memory_space<vmem>>, vector<16xf32>,
        %add3A_151 = arith.addf %scan3A_136, %get3A_150 : vector<16xf32>
        %get3A_152 = arith.index_cast %scan3A_135 : i32 to index
        %get3A_153 = arith.constant 16 : index
        %get3A_154 = tpu.vector_load %arg6[%get3A_152, %get3A_153] {strides = array<i32>} : memref<50x256xf32, #tpu.memory_space<vmem>>, vector<16xf32>,
        %add3A_155 = arith.addf %scan3A_137, %get3A_154 : vector<16xf32>
        %get3A_156 = arith.index_cast %scan3A_135 : i32 to index
        %get3A_157 = arith.constant 32 : index
        %get3A_158 = tpu.vector_load %arg6[%get3A_156, %get3A_157] {strides = array<i32>} : memref<50x256xf32, #tpu.memory_space<vmem>>, vector<16xf32>,
        %add3A_159 = arith.addf %scan3A_138, %get3A_158 : vector<16xf32>
        %get3A_160 = arith.index_cast %scan3A_135 : i32 to index
        %get3A_161 = arith.constant 48 : index
        %get3A_162 = tpu.vector_load %arg6[%get3A_160, %get3A_161] {strides = array<i32>} : memref<50x256xf32, #tpu.memory_space<vmem>>, vector<16xf32>,
        %add3A_163 = arith.addf %scan3A_139, %get3A_162 : vector<16xf32>
        %get3A_164 = arith.index_cast %scan3A_135 : i32 to index
        %get3A_165 = arith.constant 64 : index
        %get3A_166 = tpu.vector_load %arg6[%get3A_164, %get3A_165] {strides = array<i32>} : memref<50x256xf32, #tpu.memory_space<vmem>>, vector<16xf32>,
        %add3A_167 = arith.addf %scan3A_140, %get3A_166 : vector<16xf32>
        %get3A_168 = arith.index_cast %scan3A_135 : i32 to index
        %get3A_169 = arith.constant 80 : index
        %get3A_170 = tpu.vector_load %arg6[%get3A_168, %get3A_169] {strides = array<i32>} : memref<50x256xf32, #tpu.memory_space<vmem>>, vector<16xf32>,
        %add3A_171 = arith.addf %scan3A_141, %get3A_170 : vector<16xf32>
        %get3A_172 = arith.index_cast %scan3A_135 : i32 to index
        %get3A_173 = arith.constant 96 : index
        %get3A_174 = tpu.vector_load %arg6[%get3A_172, %get3A_173] {strides = array<i32>} : memref<50x256xf32, #tpu.memory_space<vmem>>, vector<16xf32>,
        %add3A_175 = arith.addf %scan3A_142, %get3A_174 : vector<16xf32>
        %get3A_176 = arith.index_cast %scan3A_135 : i32 to index
        %get3A_177 = arith.constant 112 : index
        %get3A_178 = tpu.vector_load %arg6[%get3A_176, %get3A_177] {strides = array<i32>} : memref<50x256xf32, #tpu.memory_space<vmem>>, vector<16xf32>,
        %add3A_179 = arith.addf %scan3A_143, %get3A_178 : vector<16xf32>
        %get3A_180 = arith.index_cast %scan3A_135 : i32 to index
        %get3A_181 = arith.constant 128 : index
        %get3A_182 = tpu.vector_load %arg6[%get3A_180, %get3A_181] {strides = array<i32>} : memref<50x256xf32, #tpu.memory_space<vmem>>, vector<16xf32>,
        %add3A_183 = arith.addf %scan3A_144, %get3A_182 : vector<16xf32>
        %get3A_184 = arith.index_cast %scan3A_135 : i32 to index
        %get3A_185 = arith.constant 144 : index
        %get3A_186 = tpu.vector_load %arg6[%get3A_184, %get3A_185] {strides = array<i32>} : memref<50x256xf32, #tpu.memory_space<vmem>>, vector<16xf32>,
        %add3A_187 = arith.addf %scan3A_145, %get3A_186 : vector<16xf32>
        %get3A_188 = arith.index_cast %scan3A_135 : i32 to index
        %get3A_189 = arith.constant 160 : index
        %get3A_190 = tpu.vector_load %arg6[%get3A_188, %get3A_189] {strides = array<i32>} : memref<50x256xf32, #tpu.memory_space<vmem>>, vector<16xf32>,
        %add3A_191 = arith.addf %scan3A_146, %get3A_190 : vector<16xf32>
        %get3A_192 = arith.index_cast %scan3A_135 : i32 to index
        %get3A_193 = arith.constant 176 : index
        %get3A_194 = tpu.vector_load %arg6[%get3A_192, %get3A_193] {strides = array<i32>} : memref<50x256xf32, #tpu.memory_space<vmem>>, vector<16xf32>,
        %add3A_195 = arith.addf %scan3A_147, %get3A_194 : vector<16xf32>
        %get3A_196 = arith.index_cast %scan3A_135 : i32 to index
        %get3A_197 = arith.constant 192 : index
        %get3A_198 = tpu.vector_load %arg6[%get3A_196, %get3A_197] {strides = array<i32>} : memref<50x256xf32, #tpu.memory_space<vmem>>, vector<16xf32>,
        %add3A_199 = arith.addf %scan3A_148, %get3A_198 : vector<16xf32>
        scf.yield %add3A_151, %add3A_155, %add3A_159, %add3A_163, %add3A_167, %add3A_171, %add3A_175, %add3A_179, %add3A_183, %add3A_187, %add3A_191, %add3A_195, %add3A_199 : vector<16xf32>, vector<16xf32>, vector<16xf32>, vector<16xf32>, vector<16xf32>, vector<16xf32>, vector<16xf32>, vector<16xf32>, vector<16xf32>, vector<16xf32>, vector<16xf32>, vector<16xf32>, vector<16xf32>
      }
      %scan3A_37 = arith.constant 50 : i32
      %swap3A = arith.index_cast %add3A_18 : i32 to index
      %swap3A_38 = arith.constant 0 : index
      %swap3A_39 = tpu.vector_load %arg8[%swap3A, %swap3A_38] {strides = array<i32>} : memref<128x256xf32, #tpu.memory_space<vmem>>, vector<16xf32>,
      tpu.vector_store %arg8[%swap3A, %swap3A_38], %scan3A_36#0 {strides = array<i32>} : memref<128x256xf32, #tpu.memory_space<vmem>>, vector<16xf32>,
      %swap3A_40 = arith.index_cast %add3A_18 : i32 to index
      %swap3A_41 = arith.constant 16 : index
      %swap3A_42 = tpu.vector_load %arg8[%swap3A_40, %swap3A_41] {strides = array<i32>} : memref<128x256xf32, #tpu.memory_space<vmem>>, vector<16xf32>,
      tpu.vector_store %arg8[%swap3A_40, %swap3A_41], %scan3A_36#1 {strides = array<i32>} : memref<128x256xf32, #tpu.memory_space<vmem>>, vector<16xf32>,
      %swap3A_43 = arith.index_cast %add3A_18 : i32 to index
      %swap3A_44 = arith.constant 32 : index
      %swap3A_45 = tpu.vector_load %arg8[%swap3A_43, %swap3A_44] {strides = array<i32>} : memref<128x256xf32, #tpu.memory_space<vmem>>, vector<16xf32>,
      tpu.vector_store %arg8[%swap3A_43, %swap3A_44], %scan3A_36#2 {strides = array<i32>} : memref<128x256xf32, #tpu.memory_space<vmem>>, vector<16xf32>,
      %swap3A_46 = arith.index_cast %add3A_18 : i32 to index
      %swap3A_47 = arith.constant 48 : index
      %swap3A_48 = tpu.vector_load %arg8[%swap3A_46, %swap3A_47] {strides = array<i32>} : memref<128x256xf32, #tpu.memory_space<vmem>>, vector<16xf32>,
      tpu.vector_store %arg8[%swap3A_46, %swap3A_47], %scan3A_36#3 {strides = array<i32>} : memref<128x256xf32, #tpu.memory_space<vmem>>, vector<16xf32>,
      %swap3A_49 = arith.index_cast %add3A_18 : i32 to index
      %swap3A_50 = arith.constant 64 : index
      %swap3A_51 = tpu.vector_load %arg8[%swap3A_49, %swap3A_50] {strides = array<i32>} : memref<128x256xf32, #tpu.memory_space<vmem>>, vector<16xf32>,
      tpu.vector_store %arg8[%swap3A_49, %swap3A_50], %scan3A_36#4 {strides = array<i32>} : memref<128x256xf32, #tpu.memory_space<vmem>>, vector<16xf32>,
      %swap3A_52 = arith.index_cast %add3A_18 : i32 to index
      %swap3A_53 = arith.constant 80 : index
      %swap3A_54 = tpu.vector_load %arg8[%swap3A_52, %swap3A_53] {strides = array<i32>} : memref<128x256xf32, #tpu.memory_space<vmem>>, vector<16xf32>,
      tpu.vector_store %arg8[%swap3A_52, %swap3A_53], %scan3A_36#5 {strides = array<i32>} : memref<128x256xf32, #tpu.memory_space<vmem>>, vector<16xf32>,
      %swap3A_55 = arith.index_cast %add3A_18 : i32 to index
      %swap3A_56 = arith.constant 96 : index
      %swap3A_57 = tpu.vector_load %arg8[%swap3A_55, %swap3A_56] {strides = array<i32>} : memref<128x256xf32, #tpu.memory_space<vmem>>, vector<16xf32>,
      tpu.vector_store %arg8[%swap3A_55, %swap3A_56], %scan3A_36#6 {strides = array<i32>} : memref<128x256xf32, #tpu.memory_space<vmem>>, vector<16xf32>,
      %swap3A_58 = arith.index_cast %add3A_18 : i32 to index
      %swap3A_59 = arith.constant 112 : index
      %swap3A_60 = tpu.vector_load %arg8[%swap3A_58, %swap3A_59] {strides = array<i32>} : memref<128x256xf32, #tpu.memory_space<vmem>>, vector<16xf32>,
      tpu.vector_store %arg8[%swap3A_58, %swap3A_59], %scan3A_36#7 {strides = array<i32>} : memref<128x256xf32, #tpu.memory_space<vmem>>, vector<16xf32>,
      %swap3A_61 = arith.index_cast %add3A_18 : i32 to index
      %swap3A_62 = arith.constant 128 : index
      %swap3A_63 = tpu.vector_load %arg8[%swap3A_61, %swap3A_62] {strides = array<i32>} : memref<128x256xf32, #tpu.memory_space<vmem>>, vector<16xf32>,
      tpu.vector_store %arg8[%swap3A_61, %swap3A_62], %scan3A_36#8 {strides = array<i32>} : memref<128x256xf32, #tpu.memory_space<vmem>>, vector<16xf32>,
      %swap3A_64 = arith.index_cast %add3A_18 : i32 to index
      %swap3A_65 = arith.constant 144 : index
      %swap3A_66 = tpu.vector_load %arg8[%swap3A_64, %swap3A_65] {strides = array<i32>} : memref<128x256xf32, #tpu.memory_space<vmem>>, vector<16xf32>,
      tpu.vector_store %arg8[%swap3A_64, %swap3A_65], %scan3A_36#9 {strides = array<i32>} : memref<128x256xf32, #tpu.memory_space<vmem>>, vector<16xf32>,
      %swap3A_67 = arith.index_cast %add3A_18 : i32 to index
      %swap3A_68 = arith.constant 160 : index
      %swap3A_69 = tpu.vector_load %arg8[%swap3A_67, %swap3A_68] {strides = array<i32>} : memref<128x256xf32, #tpu.memory_space<vmem>>, vector<16xf32>,
      tpu.vector_store %arg8[%swap3A_67, %swap3A_68], %scan3A_36#10 {strides = array<i32>} : memref<128x256xf32, #tpu.memory_space<vmem>>, vector<16xf32>,
      %swap3A_70 = arith.index_cast %add3A_18 : i32 to index
      %swap3A_71 = arith.constant 176 : index
      %swap3A_72 = tpu.vector_load %arg8[%swap3A_70, %swap3A_71] {strides = array<i32>} : memref<128x256xf32, #tpu.memory_space<vmem>>, vector<16xf32>,
      tpu.vector_store %arg8[%swap3A_70, %swap3A_71], %scan3A_36#11 {strides = array<i32>} : memref<128x256xf32, #tpu.memory_space<vmem>>, vector<16xf32>,
      %swap3A_73 = arith.index_cast %add3A_18 : i32 to index
      %swap3A_74 = arith.constant 192 : index
      %swap3A_75 = tpu.vector_load %arg8[%swap3A_73, %swap3A_74] {strides = array<i32>} : memref<128x256xf32, #tpu.memory_space<vmem>>, vector<16xf32>,
      tpu.vector_store %arg8[%swap3A_73, %swap3A_74], %scan3A_36#12 {strides = array<i32>} : memref<128x256xf32, #tpu.memory_space<vmem>>, vector<16xf32>,
      %add3A_76 = arith.constant 2 : i32
      %add3A_77 = arith.addi %add3A_18, %add3A_76 : i32
      %lt3A = arith.constant 128 : i32
      %lt3A_78 = arith.cmpi slt, %add3A_77, %lt3A : i32
      %convert_element_type3A = arith.extui %lt3A_78 : i1 to i32
      %cond3A = arith.constant 0 : i32
      %cond3A_79 = arith.cmpi ne, %convert_element_type3A, %cond3A : i32
      scf.if %cond3A_79 {
        %add3A_135 = arith.constant 2 : i32
        %add3A_136 = arith.addi %add3A_18, %add3A_135 : i32
        %dma_start3A_137 = arith.constant 0 : i32
        %dma_start3A_138 = tpu.memref_slice %arg5[%add3A_136, %dma_start3A_137] : memref<128x50xi32, #tpu.memory_space<vmem>> -> memref<1x50xi32, #tpu.memory_space<vmem>>
        %dma_start3A_139 = tpu.memref_squeeze %dma_start3A_138 : memref<1x50xi32, #tpu.memory_space<vmem>> -> memref<50xi32, #tpu.memory_space<vmem>>
        %dma_start3A_140 = arith.constant 0 : i32
        %dma_start3A_141 = arith.constant 0 : i32
        %dma_start3A_142 = tpu.memref_slice %arg3[%dma_start3A_140, %dma_start3A_141] : memref<100096x256xf32, #tpu.memory_space<hbm>> -> memref<100096x256xf32, #tpu.memory_space<hbm>>
        tpu.enqueue_indirect_dma source(%dma_start3A_142 : memref<100096x256xf32, #tpu.memory_space<hbm>>) target(%arg6 : memref<50x256xf32, #tpu.memory_space<vmem>>) offsets(%dma_start3A_139 : memref<50xi32, #tpu.memory_space<vmem>>) semaphore(%arg9 : memref<!tpu.dma_semaphore, #tpu.memory_space<semaphore_mem>>)
      } else {
      }
      %add3A_80 = arith.constant 1 : i32
      %add3A_81 = arith.addi %add3A_18, %add3A_80 : i32
      %dma_wait3A_82 = arith.constant 0 : i32
      %dma_wait3A_83 = tpu.memref_slice %arg5[%add3A_81, %dma_wait3A_82] : memref<128x50xi32, #tpu.memory_space<vmem>> -> memref<1x50xi32, #tpu.memory_space<vmem>>
      %dma_wait3A_84 = tpu.memref_squeeze %dma_wait3A_83 : memref<1x50xi32, #tpu.memory_space<vmem>> -> memref<50xi32, #tpu.memory_space<vmem>>
      %dma_wait3A_85 = arith.constant 0 : i32
      %dma_wait3A_86 = arith.constant 0 : i32
      %dma_wait3A_87 = tpu.memref_slice %arg3[%dma_wait3A_85, %dma_wait3A_86] : memref<100096x256xf32, #tpu.memory_space<hbm>> -> memref<100096x256xf32, #tpu.memory_space<hbm>>
      tpu.wait_indirect_dma semaphore(%arg10 : memref<!tpu.dma_semaphore, #tpu.memory_space<semaphore_mem>>) src(%dma_wait3A_87 : memref<100096x256xf32, #tpu.memory_space<hbm>>) dst(%arg7 : memref<50x256xf32, #tpu.memory_space<vmem>>)
      %add3A_88 = arith.constant 1 : i32
      %add3A_89 = arith.addi %add3A_18, %add3A_88 : i32
      %scan3A_90 = arith.constant 0 : i32
      %scan3A_91 = arith.constant 50 : i32
      %scan3A_92 = arith.addi %scan3A_90, %scan3A_91 : i32
      %scan3A_93 = arith.constant 1 : i32
      %scan3A_94:13 = scf.for %scan3A_135 = %scan3A_90 to %scan3A_92 step %scan3A_93 iter_args(%scan3A_136 = %broadcast_in_dim3A_9, %scan3A_137 = %broadcast_in_dim3A_9, %scan3A_138 = %broadcast_in_dim3A_9, %scan3A_139 = %broadcast_in_dim3A_9, %scan3A_140 = %broadcast_in_dim3A_9, %scan3A_141 = %broadcast_in_dim3A_9, %scan3A_142 = %broadcast_in_dim3A_9, %scan3A_143 = %broadcast_in_dim3A_9, %scan3A_144 = %broadcast_in_dim3A_9, %scan3A_145 = %broadcast_in_dim3A_9, %scan3A_146 = %broadcast_in_dim3A_9, %scan3A_147 = %broadcast_in_dim3A_9, %scan3A_148 = %broadcast_in_dim3A_9) -> (vector<16xf32>, vector<16xf32>, vector<16xf32>, vector<16xf32>, vector<16xf32>, vector<16xf32>, vector<16xf32>, vector<16xf32>, vector<16xf32>, vector<16xf32>, vector<16xf32>, vector<16xf32>, vector<16xf32>)  : i32 {
        %get3A = arith.index_cast %scan3A_135 : i32 to index
        %get3A_149 = arith.constant 0 : index
        %get3A_150 = tpu.vector_load %arg7[%get3A, %get3A_149] {strides = array<i32>} : memref<50x256xf32, #tpu.memory_space<vmem>>, vector<16xf32>,
        %add3A_151 = arith.addf %scan3A_136, %get3A_150 : vector<16xf32>
        %get3A_152 = arith.index_cast %scan3A_135 : i32 to index
        %get3A_153 = arith.constant 16 : index
        %get3A_154 = tpu.vector_load %arg7[%get3A_152, %get3A_153] {strides = array<i32>} : memref<50x256xf32, #tpu.memory_space<vmem>>, vector<16xf32>,
        %add3A_155 = arith.addf %scan3A_137, %get3A_154 : vector<16xf32>
        %get3A_156 = arith.index_cast %scan3A_135 : i32 to index
        %get3A_157 = arith.constant 32 : index
        %get3A_158 = tpu.vector_load %arg7[%get3A_156, %get3A_157] {strides = array<i32>} : memref<50x256xf32, #tpu.memory_space<vmem>>, vector<16xf32>,
        %add3A_159 = arith.addf %scan3A_138, %get3A_158 : vector<16xf32>
        %get3A_160 = arith.index_cast %scan3A_135 : i32 to index
        %get3A_161 = arith.constant 48 : index
        %get3A_162 = tpu.vector_load %arg7[%get3A_160, %get3A_161] {strides = array<i32>} : memref<50x256xf32, #tpu.memory_space<vmem>>, vector<16xf32>,
        %add3A_163 = arith.addf %scan3A_139, %get3A_162 : vector<16xf32>
        %get3A_164 = arith.index_cast %scan3A_135 : i32 to index
        %get3A_165 = arith.constant 64 : index
        %get3A_166 = tpu.vector_load %arg7[%get3A_164, %get3A_165] {strides = array<i32>} : memref<50x256xf32, #tpu.memory_space<vmem>>, vector<16xf32>,
        %add3A_167 = arith.addf %scan3A_140, %get3A_166 : vector<16xf32>
        %get3A_168 = arith.index_cast %scan3A_135 : i32 to index
        %get3A_169 = arith.constant 80 : index
        %get3A_170 = tpu.vector_load %arg7[%get3A_168, %get3A_169] {strides = array<i32>} : memref<50x256xf32, #tpu.memory_space<vmem>>, vector<16xf32>,
        %add3A_171 = arith.addf %scan3A_141, %get3A_170 : vector<16xf32>
        %get3A_172 = arith.index_cast %scan3A_135 : i32 to index
        %get3A_173 = arith.constant 96 : index
        %get3A_174 = tpu.vector_load %arg7[%get3A_172, %get3A_173] {strides = array<i32>} : memref<50x256xf32, #tpu.memory_space<vmem>>, vector<16xf32>,
        %add3A_175 = arith.addf %scan3A_142, %get3A_174 : vector<16xf32>
        %get3A_176 = arith.index_cast %scan3A_135 : i32 to index
        %get3A_177 = arith.constant 112 : index
        %get3A_178 = tpu.vector_load %arg7[%get3A_176, %get3A_177] {strides = array<i32>} : memref<50x256xf32, #tpu.memory_space<vmem>>, vector<16xf32>,
        %add3A_179 = arith.addf %scan3A_143, %get3A_178 : vector<16xf32>
        %get3A_180 = arith.index_cast %scan3A_135 : i32 to index
        %get3A_181 = arith.constant 128 : index
        %get3A_182 = tpu.vector_load %arg7[%get3A_180, %get3A_181] {strides = array<i32>} : memref<50x256xf32, #tpu.memory_space<vmem>>, vector<16xf32>,
        %add3A_183 = arith.addf %scan3A_144, %get3A_182 : vector<16xf32>
        %get3A_184 = arith.index_cast %scan3A_135 : i32 to index
        %get3A_185 = arith.constant 144 : index
        %get3A_186 = tpu.vector_load %arg7[%get3A_184, %get3A_185] {strides = array<i32>} : memref<50x256xf32, #tpu.memory_space<vmem>>, vector<16xf32>,
        %add3A_187 = arith.addf %scan3A_145, %get3A_186 : vector<16xf32>
        %get3A_188 = arith.index_cast %scan3A_135 : i32 to index
        %get3A_189 = arith.constant 160 : index
        %get3A_190 = tpu.vector_load %arg7[%get3A_188, %get3A_189] {strides = array<i32>} : memref<50x256xf32, #tpu.memory_space<vmem>>, vector<16xf32>,
        %add3A_191 = arith.addf %scan3A_146, %get3A_190 : vector<16xf32>
        %get3A_192 = arith.index_cast %scan3A_135 : i32 to index
        %get3A_193 = arith.constant 176 : index
        %get3A_194 = tpu.vector_load %arg7[%get3A_192, %get3A_193] {strides = array<i32>} : memref<50x256xf32, #tpu.memory_space<vmem>>, vector<16xf32>,
        %add3A_195 = arith.addf %scan3A_147, %get3A_194 : vector<16xf32>
        %get3A_196 = arith.index_cast %scan3A_135 : i32 to index
        %get3A_197 = arith.constant 192 : index
        %get3A_198 = tpu.vector_load %arg7[%get3A_196, %get3A_197] {strides = array<i32>} : memref<50x256xf32, #tpu.memory_space<vmem>>, vector<16xf32>,
        %add3A_199 = arith.addf %scan3A_148, %get3A_198 : vector<16xf32>
        scf.yield %add3A_151, %add3A_155, %add3A_159, %add3A_163, %add3A_167, %add3A_171, %add3A_175, %add3A_179, %add3A_183, %add3A_187, %add3A_191, %add3A_195, %add3A_199 : vector<16xf32>, vector<16xf32>, vector<16xf32>, vector<16xf32>, vector<16xf32>, vector<16xf32>, vector<16xf32>, vector<16xf32>, vector<16xf32>, vector<16xf32>, vector<16xf32>, vector<16xf32>, vector<16xf32>
      }
      %scan3A_95 = arith.constant 50 : i32
      %swap3A_96 = arith.index_cast %add3A_89 : i32 to index
      %swap3A_97 = arith.constant 0 : index
      %swap3A_98 = tpu.vector_load %arg8[%swap3A_96, %swap3A_97] {strides = array<i32>} : memref<128x256xf32, #tpu.memory_space<vmem>>, vector<16xf32>,
      tpu.vector_store %arg8[%swap3A_96, %swap3A_97], %scan3A_94#0 {strides = array<i32>} : memref<128x256xf32, #tpu.memory_space<vmem>>, vector<16xf32>,
      %swap3A_99 = arith.index_cast %add3A_89 : i32 to index
      %swap3A_100 = arith.constant 16 : index
      %swap3A_101 = tpu.vector_load %arg8[%swap3A_99, %swap3A_100] {strides = array<i32>} : memref<128x256xf32, #tpu.memory_space<vmem>>, vector<16xf32>,
      tpu.vector_store %arg8[%swap3A_99, %swap3A_100], %scan3A_94#1 {strides = array<i32>} : memref<128x256xf32, #tpu.memory_space<vmem>>, vector<16xf32>,
      %swap3A_102 = arith.index_cast %add3A_89 : i32 to index
      %swap3A_103 = arith.constant 32 : index
      %swap3A_104 = tpu.vector_load %arg8[%swap3A_102, %swap3A_103] {strides = array<i32>} : memref<128x256xf32, #tpu.memory_space<vmem>>, vector<16xf32>,
      tpu.vector_store %arg8[%swap3A_102, %swap3A_103], %scan3A_94#2 {strides = array<i32>} : memref<128x256xf32, #tpu.memory_space<vmem>>, vector<16xf32>,
      %swap3A_105 = arith.index_cast %add3A_89 : i32 to index
      %swap3A_106 = arith.constant 48 : index
      %swap3A_107 = tpu.vector_load %arg8[%swap3A_105, %swap3A_106] {strides = array<i32>} : memref<128x256xf32, #tpu.memory_space<vmem>>, vector<16xf32>,
      tpu.vector_store %arg8[%swap3A_105, %swap3A_106], %scan3A_94#3 {strides = array<i32>} : memref<128x256xf32, #tpu.memory_space<vmem>>, vector<16xf32>,
      %swap3A_108 = arith.index_cast %add3A_89 : i32 to index
      %swap3A_109 = arith.constant 64 : index
      %swap3A_110 = tpu.vector_load %arg8[%swap3A_108, %swap3A_109] {strides = array<i32>} : memref<128x256xf32, #tpu.memory_space<vmem>>, vector<16xf32>,
      tpu.vector_store %arg8[%swap3A_108, %swap3A_109], %scan3A_94#4 {strides = array<i32>} : memref<128x256xf32, #tpu.memory_space<vmem>>, vector<16xf32>,
      %swap3A_111 = arith.index_cast %add3A_89 : i32 to index
      %swap3A_112 = arith.constant 80 : index
      %swap3A_113 = tpu.vector_load %arg8[%swap3A_111, %swap3A_112] {strides = array<i32>} : memref<128x256xf32, #tpu.memory_space<vmem>>, vector<16xf32>,
      tpu.vector_store %arg8[%swap3A_111, %swap3A_112], %scan3A_94#5 {strides = array<i32>} : memref<128x256xf32, #tpu.memory_space<vmem>>, vector<16xf32>,
      %swap3A_114 = arith.index_cast %add3A_89 : i32 to index
      %swap3A_115 = arith.constant 96 : index
      %swap3A_116 = tpu.vector_load %arg8[%swap3A_114, %swap3A_115] {strides = array<i32>} : memref<128x256xf32, #tpu.memory_space<vmem>>, vector<16xf32>,
      tpu.vector_store %arg8[%swap3A_114, %swap3A_115], %scan3A_94#6 {strides = array<i32>} : memref<128x256xf32, #tpu.memory_space<vmem>>, vector<16xf32>,
      %swap3A_117 = arith.index_cast %add3A_89 : i32 to index
      %swap3A_118 = arith.constant 112 : index
      %swap3A_119 = tpu.vector_load %arg8[%swap3A_117, %swap3A_118] {strides = array<i32>} : memref<128x256xf32, #tpu.memory_space<vmem>>, vector<16xf32>,
      tpu.vector_store %arg8[%swap3A_117, %swap3A_118], %scan3A_94#7 {strides = array<i32>} : memref<128x256xf32, #tpu.memory_space<vmem>>, vector<16xf32>,
      %swap3A_120 = arith.index_cast %add3A_89 : i32 to index
      %swap3A_121 = arith.constant 128 : index
      %swap3A_122 = tpu.vector_load %arg8[%swap3A_120, %swap3A_121] {strides = array<i32>} : memref<128x256xf32, #tpu.memory_space<vmem>>, vector<16xf32>,
      tpu.vector_store %arg8[%swap3A_120, %swap3A_121], %scan3A_94#8 {strides = array<i32>} : memref<128x256xf32, #tpu.memory_space<vmem>>, vector<16xf32>,
      %swap3A_123 = arith.index_cast %add3A_89 : i32 to index
      %swap3A_124 = arith.constant 144 : index
      %swap3A_125 = tpu.vector_load %arg8[%swap3A_123, %swap3A_124] {strides = array<i32>} : memref<128x256xf32, #tpu.memory_space<vmem>>, vector<16xf32>,
      tpu.vector_store %arg8[%swap3A_123, %swap3A_124], %scan3A_94#9 {strides = array<i32>} : memref<128x256xf32, #tpu.memory_space<vmem>>, vector<16xf32>,
      %swap3A_126 = arith.index_cast %add3A_89 : i32 to index
      %swap3A_127 = arith.constant 160 : index
      %swap3A_128 = tpu.vector_load %arg8[%swap3A_126, %swap3A_127] {strides = array<i32>} : memref<128x256xf32, #tpu.memory_space<vmem>>, vector<16xf32>,
      tpu.vector_store %arg8[%swap3A_126, %swap3A_127], %scan3A_94#10 {strides = array<i32>} : memref<128x256xf32, #tpu.memory_space<vmem>>, vector<16xf32>,
      %swap3A_129 = arith.index_cast %add3A_89 : i32 to index
      %swap3A_130 = arith.constant 176 : index
      %swap3A_131 = tpu.vector_load %arg8[%swap3A_129, %swap3A_130] {strides = array<i32>} : memref<128x256xf32, #tpu.memory_space<vmem>>, vector<16xf32>,
      tpu.vector_store %arg8[%swap3A_129, %swap3A_130], %scan3A_94#11 {strides = array<i32>} : memref<128x256xf32, #tpu.memory_space<vmem>>, vector<16xf32>,
      %swap3A_132 = arith.index_cast %add3A_89 : i32 to index
      %swap3A_133 = arith.constant 192 : index
      %swap3A_134 = tpu.vector_load %arg8[%swap3A_132, %swap3A_133] {strides = array<i32>} : memref<128x256xf32, #tpu.memory_space<vmem>>, vector<16xf32>,
      tpu.vector_store %arg8[%swap3A_132, %swap3A_133], %scan3A_94#12 {strides = array<i32>} : memref<128x256xf32, #tpu.memory_space<vmem>>, vector<16xf32>,
    }
    %scan3A_13 = arith.constant 64 : i32
    "tpu.region"() ({
      %run_scoped3A = tpu.sem_alloc : memref<!tpu.dma_semaphore, #tpu.memory_space<semaphore_mem>>
      %dma_start3A_14 = arith.constant 0 : i32
      %dma_start3A_15 = tpu.memref_slice %arg4[%mul3A_2, %dma_start3A_14] : memref<4096x256xf32, #tpu.memory_space<hbm>> -> memref<128x256xf32, #tpu.memory_space<hbm>>
      %dma_start3A_16 = arith.constant 0 : i32
      %dma_start3A_17 = tpu.memref_slice %arg4[%mul3A_2, %dma_start3A_16] : memref<4096x256xf32, #tpu.memory_space<hbm>> -> memref<128x256xf32, #tpu.memory_space<hbm>>
      tpu.enqueue_dma source(%arg8 : memref<128x256xf32, #tpu.memory_space<vmem>>) target(%dma_start3A_17 : memref<128x256xf32, #tpu.memory_space<hbm>>) target_semaphore(%run_scoped3A : memref<!tpu.dma_semaphore, #tpu.memory_space<semaphore_mem>>)
      %dma_wait3A = arith.constant 0 : i32
      %dma_wait3A_18 = tpu.memref_slice %arg4[%mul3A_2, %dma_wait3A] : memref<4096x256xf32, #tpu.memory_space<hbm>> -> memref<128x256xf32, #tpu.memory_space<hbm>>
      %dma_wait3A_19 = arith.constant 0 : i32
      %dma_wait3A_20 = tpu.memref_slice %arg4[%mul3A_2, %dma_wait3A_19] : memref<4096x256xf32, #tpu.memory_space<hbm>> -> memref<128x256xf32, #tpu.memory_space<hbm>>
      tpu.wait_dma2 semaphore(%run_scoped3A : memref<!tpu.dma_semaphore, #tpu.memory_space<semaphore_mem>>) src(%arg8 : memref<128x256xf32, #tpu.memory_space<vmem>>) dst(%dma_wait3A_20 : memref<128x256xf32, #tpu.memory_space<hbm>>)
      tpu.yield
    }) : () -> ()
    return
  }
}

#map = affine_map<(d0, d1) -> (0)>
#map1 = affine_map<(d0, d1) -> (0, 0)>
module attributes {stable_mosaic.version = 14 : i64} {
  func.func @kern(%arg0: i32, %arg1: i32, %arg2: memref<4096xi32, #tpu.memory_space<hbm>>, %arg3: memref<4096xi32, #tpu.memory_space<hbm>>, %arg4: memref<4096xf32, #tpu.memory_space<hbm>>, %arg5: memref<4096xf32, #tpu.memory_space<hbm>>, %arg6: memref<4096xf32, #tpu.memory_space<hbm>>, %arg7: memref<782x128xf32, #tpu.memory_space<hbm>>, %arg8: memref<782x128xf32, #tpu.memory_space<hbm>>, %arg9: memref<100096x256xf32, #tpu.memory_space<hbm>>, %arg10: memref<100096x256xf32, #tpu.memory_space<hbm>>, %arg11: memref<4096x256xf32, #tpu.memory_space<hbm>>, %arg12: memref<4096xf32, #tpu.memory_space<hbm>>, %arg13: memref<128xi32, #tpu.memory_space<vmem>>, %arg14: memref<128xi32, #tpu.memory_space<vmem>>, %arg15: memref<128xf32, #tpu.memory_space<vmem>>, %arg16: memref<128xf32, #tpu.memory_space<vmem>>, %arg17: memref<128xf32, #tpu.memory_space<vmem>>, %arg18: memref<128xi32, #tpu.memory_space<vmem>>, %arg19: memref<128x128xf32, #tpu.memory_space<vmem>>, %arg20: memref<128xf32, #tpu.memory_space<vmem>>, %arg21: memref<128xf32, #tpu.memory_space<vmem>>, %arg22: memref<128x256xf32, #tpu.memory_space<vmem>>, %arg23: memref<128x256xf32, #tpu.memory_space<vmem>>, %arg24: memref<128x256xf32, #tpu.memory_space<vmem>>, %arg25: memref<128xf32, #tpu.memory_space<vmem>>, %arg26: memref<!tpu.dma_semaphore, #tpu.memory_space<semaphore_mem>>) attributes {dimension_semantics = [#tpu.dimension_semantics<core_parallel>, #tpu.dimension_semantics<subcore_parallel>], iteration_bounds = array<i64: 2, 16>, scalar_prefetch = 0 : i64, scratch_operands = 14 : i64, tpu.core_type = #tpu.core_type<sc_vector_subcore>, window_params = [{transform_indices = #map}, {transform_indices = #map}, {transform_indices = #map}, {transform_indices = #map}, {transform_indices = #map}, {transform_indices = #map1}, {transform_indices = #map1}, {transform_indices = #map1}, {transform_indices = #map1}, {transform_indices = #map1}, {transform_indices = #map}]} {
    %mul3A = arith.constant 2 : i32
    %mul3A_0 = arith.muli %arg1, %mul3A : i32
    %add3A = arith.addi %mul3A_0, %arg0 : i32
    %mul3A_1 = arith.constant 128 : i32
    %mul3A_2 = arith.muli %add3A, %mul3A_1 : i32
    "tpu.region"() ({
      %run_scoped3A = tpu.sem_alloc : memref<!tpu.dma_semaphore, #tpu.memory_space<semaphore_mem>>
      %dma_start3A_60 = tpu.memref_slice %arg2[%mul3A_2] : memref<4096xi32, #tpu.memory_space<hbm>> -> memref<128xi32, #tpu.memory_space<hbm>>
      %dma_start3A_61 = tpu.memref_slice %arg2[%mul3A_2] : memref<4096xi32, #tpu.memory_space<hbm>> -> memref<128xi32, #tpu.memory_space<hbm>>
      tpu.enqueue_dma source(%dma_start3A_61 : memref<128xi32, #tpu.memory_space<hbm>>) target(%arg13 : memref<128xi32, #tpu.memory_space<vmem>>) target_semaphore(%run_scoped3A : memref<!tpu.dma_semaphore, #tpu.memory_space<semaphore_mem>>)
      %dma_wait3A_62 = tpu.memref_slice %arg2[%mul3A_2] : memref<4096xi32, #tpu.memory_space<hbm>> -> memref<128xi32, #tpu.memory_space<hbm>>
      %dma_wait3A_63 = tpu.memref_slice %arg2[%mul3A_2] : memref<4096xi32, #tpu.memory_space<hbm>> -> memref<128xi32, #tpu.memory_space<hbm>>
      tpu.wait_dma2 semaphore(%run_scoped3A : memref<!tpu.dma_semaphore, #tpu.memory_space<semaphore_mem>>) src(%dma_wait3A_63 : memref<128xi32, #tpu.memory_space<hbm>>) dst(%arg13 : memref<128xi32, #tpu.memory_space<vmem>>)
      tpu.yield
    }) : () -> ()
    "tpu.region"() ({
      %run_scoped3A = tpu.sem_alloc : memref<!tpu.dma_semaphore, #tpu.memory_space<semaphore_mem>>
      %dma_start3A_60 = tpu.memref_slice %arg3[%mul3A_2] : memref<4096xi32, #tpu.memory_space<hbm>> -> memref<128xi32, #tpu.memory_space<hbm>>
      %dma_start3A_61 = tpu.memref_slice %arg3[%mul3A_2] : memref<4096xi32, #tpu.memory_space<hbm>> -> memref<128xi32, #tpu.memory_space<hbm>>
      tpu.enqueue_dma source(%dma_start3A_61 : memref<128xi32, #tpu.memory_space<hbm>>) target(%arg14 : memref<128xi32, #tpu.memory_space<vmem>>) target_semaphore(%run_scoped3A : memref<!tpu.dma_semaphore, #tpu.memory_space<semaphore_mem>>)
      %dma_wait3A_62 = tpu.memref_slice %arg3[%mul3A_2] : memref<4096xi32, #tpu.memory_space<hbm>> -> memref<128xi32, #tpu.memory_space<hbm>>
      %dma_wait3A_63 = tpu.memref_slice %arg3[%mul3A_2] : memref<4096xi32, #tpu.memory_space<hbm>> -> memref<128xi32, #tpu.memory_space<hbm>>
      tpu.wait_dma2 semaphore(%run_scoped3A : memref<!tpu.dma_semaphore, #tpu.memory_space<semaphore_mem>>) src(%dma_wait3A_63 : memref<128xi32, #tpu.memory_space<hbm>>) dst(%arg14 : memref<128xi32, #tpu.memory_space<vmem>>)
      tpu.yield
    }) : () -> ()
    "tpu.region"() ({
      %run_scoped3A = tpu.sem_alloc : memref<!tpu.dma_semaphore, #tpu.memory_space<semaphore_mem>>
      %dma_start3A_60 = tpu.memref_slice %arg4[%mul3A_2] : memref<4096xf32, #tpu.memory_space<hbm>> -> memref<128xf32, #tpu.memory_space<hbm>>
      %dma_start3A_61 = tpu.memref_slice %arg4[%mul3A_2] : memref<4096xf32, #tpu.memory_space<hbm>> -> memref<128xf32, #tpu.memory_space<hbm>>
      tpu.enqueue_dma source(%dma_start3A_61 : memref<128xf32, #tpu.memory_space<hbm>>) target(%arg15 : memref<128xf32, #tpu.memory_space<vmem>>) target_semaphore(%run_scoped3A : memref<!tpu.dma_semaphore, #tpu.memory_space<semaphore_mem>>)
      %dma_wait3A_62 = tpu.memref_slice %arg4[%mul3A_2] : memref<4096xf32, #tpu.memory_space<hbm>> -> memref<128xf32, #tpu.memory_space<hbm>>
      %dma_wait3A_63 = tpu.memref_slice %arg4[%mul3A_2] : memref<4096xf32, #tpu.memory_space<hbm>> -> memref<128xf32, #tpu.memory_space<hbm>>
      tpu.wait_dma2 semaphore(%run_scoped3A : memref<!tpu.dma_semaphore, #tpu.memory_space<semaphore_mem>>) src(%dma_wait3A_63 : memref<128xf32, #tpu.memory_space<hbm>>) dst(%arg15 : memref<128xf32, #tpu.memory_space<vmem>>)
      tpu.yield
    }) : () -> ()
    "tpu.region"() ({
      %run_scoped3A = tpu.sem_alloc : memref<!tpu.dma_semaphore, #tpu.memory_space<semaphore_mem>>
      %dma_start3A_60 = tpu.memref_slice %arg5[%mul3A_2] : memref<4096xf32, #tpu.memory_space<hbm>> -> memref<128xf32, #tpu.memory_space<hbm>>
      %dma_start3A_61 = tpu.memref_slice %arg5[%mul3A_2] : memref<4096xf32, #tpu.memory_space<hbm>> -> memref<128xf32, #tpu.memory_space<hbm>>
      tpu.enqueue_dma source(%dma_start3A_61 : memref<128xf32, #tpu.memory_space<hbm>>) target(%arg16 : memref<128xf32, #tpu.memory_space<vmem>>) target_semaphore(%run_scoped3A : memref<!tpu.dma_semaphore, #tpu.memory_space<semaphore_mem>>)
      %dma_wait3A_62 = tpu.memref_slice %arg5[%mul3A_2] : memref<4096xf32, #tpu.memory_space<hbm>> -> memref<128xf32, #tpu.memory_space<hbm>>
      %dma_wait3A_63 = tpu.memref_slice %arg5[%mul3A_2] : memref<4096xf32, #tpu.memory_space<hbm>> -> memref<128xf32, #tpu.memory_space<hbm>>
      tpu.wait_dma2 semaphore(%run_scoped3A : memref<!tpu.dma_semaphore, #tpu.memory_space<semaphore_mem>>) src(%dma_wait3A_63 : memref<128xf32, #tpu.memory_space<hbm>>) dst(%arg16 : memref<128xf32, #tpu.memory_space<vmem>>)
      tpu.yield
    }) : () -> ()
    "tpu.region"() ({
      %run_scoped3A = tpu.sem_alloc : memref<!tpu.dma_semaphore, #tpu.memory_space<semaphore_mem>>
      %dma_start3A_60 = tpu.memref_slice %arg6[%mul3A_2] : memref<4096xf32, #tpu.memory_space<hbm>> -> memref<128xf32, #tpu.memory_space<hbm>>
      %dma_start3A_61 = tpu.memref_slice %arg6[%mul3A_2] : memref<4096xf32, #tpu.memory_space<hbm>> -> memref<128xf32, #tpu.memory_space<hbm>>
      tpu.enqueue_dma source(%dma_start3A_61 : memref<128xf32, #tpu.memory_space<hbm>>) target(%arg17 : memref<128xf32, #tpu.memory_space<vmem>>) target_semaphore(%run_scoped3A : memref<!tpu.dma_semaphore, #tpu.memory_space<semaphore_mem>>)
      %dma_wait3A_62 = tpu.memref_slice %arg6[%mul3A_2] : memref<4096xf32, #tpu.memory_space<hbm>> -> memref<128xf32, #tpu.memory_space<hbm>>
      %dma_wait3A_63 = tpu.memref_slice %arg6[%mul3A_2] : memref<4096xf32, #tpu.memory_space<hbm>> -> memref<128xf32, #tpu.memory_space<hbm>>
      tpu.wait_dma2 semaphore(%run_scoped3A : memref<!tpu.dma_semaphore, #tpu.memory_space<semaphore_mem>>) src(%dma_wait3A_63 : memref<128xf32, #tpu.memory_space<hbm>>) dst(%arg17 : memref<128xf32, #tpu.memory_space<vmem>>)
      tpu.yield
    }) : () -> ()
    %dma_start3A = arith.constant 0 : i32
    %dma_start3A_3 = arith.constant 0 : i32
    %dma_start3A_4 = tpu.memref_slice %arg9[%dma_start3A, %dma_start3A_3] : memref<100096x256xf32, #tpu.memory_space<hbm>> -> memref<100096x256xf32, #tpu.memory_space<hbm>>
    tpu.enqueue_indirect_dma source(%dma_start3A_4 : memref<100096x256xf32, #tpu.memory_space<hbm>>) target(%arg22 : memref<128x256xf32, #tpu.memory_space<vmem>>) offsets(%arg13 : memref<128xi32, #tpu.memory_space<vmem>>) semaphore(%arg26 : memref<!tpu.dma_semaphore, #tpu.memory_space<semaphore_mem>>)
    %dma_start3A_5 = arith.constant 0 : i32
    %dma_start3A_6 = arith.constant 0 : i32
    %dma_start3A_7 = tpu.memref_slice %arg10[%dma_start3A_5, %dma_start3A_6] : memref<100096x256xf32, #tpu.memory_space<hbm>> -> memref<100096x256xf32, #tpu.memory_space<hbm>>
    tpu.enqueue_indirect_dma source(%dma_start3A_7 : memref<100096x256xf32, #tpu.memory_space<hbm>>) target(%arg23 : memref<128x256xf32, #tpu.memory_space<vmem>>) offsets(%arg14 : memref<128xi32, #tpu.memory_space<vmem>>) semaphore(%arg26 : memref<!tpu.dma_semaphore, #tpu.memory_space<semaphore_mem>>)
    %dma_start3A_8 = arith.constant 0 : i32
    %dma_start3A_9 = tpu.memref_slice %arg11[%mul3A_2, %dma_start3A_8] : memref<4096x256xf32, #tpu.memory_space<hbm>> -> memref<128x256xf32, #tpu.memory_space<hbm>>
    %dma_start3A_10 = arith.constant 0 : i32
    %dma_start3A_11 = tpu.memref_slice %arg11[%mul3A_2, %dma_start3A_10] : memref<4096x256xf32, #tpu.memory_space<hbm>> -> memref<128x256xf32, #tpu.memory_space<hbm>>
    tpu.enqueue_dma source(%dma_start3A_11 : memref<128x256xf32, #tpu.memory_space<hbm>>) target(%arg24 : memref<128x256xf32, #tpu.memory_space<vmem>>) target_semaphore(%arg26 : memref<!tpu.dma_semaphore, #tpu.memory_space<semaphore_mem>>)
    %iota3A = tpu.iota {dimensions = array<i32: 0>} : vector<16xi32>
    %lt3A = arith.constant 8 : i32
    %lt3A_12 = vector.broadcast %lt3A : i32 to vector<16xi32>
    %lt3A_13 = arith.cmpi slt, %iota3A, %lt3A_12 : vector<16xi32>
    %broadcast_in_dim3A = arith.constant 0.000000e+00 : f32
    %broadcast_in_dim3A_14 = vector.broadcast %broadcast_in_dim3A : f32 to vector<16xf32>
    %scan3A = arith.constant 0 : i32
    %scan3A_15 = arith.constant 8 : i32
    %scan3A_16 = arith.addi %scan3A, %scan3A_15 : i32
    %scan3A_17 = arith.constant 1 : i32
    scf.for %scan3A_60 = %scan3A to %scan3A_16 step %scan3A_17  : i32 {
      %mul3A_61 = arith.constant 16 : i32
      %mul3A_62 = arith.muli %scan3A_60, %mul3A_61 : i32
      %add3A_63 = arith.constant 0 : i32
      %add3A_64 = arith.addi %add3A_63, %mul3A_62 : i32
      %get3A = arith.index_cast %add3A_64 : i32 to index
      %get3A_65 = tpu.vector_load %arg13[%get3A] {strides = array<i32>} : memref<128xi32, #tpu.memory_space<vmem>>, vector<16xi32>,
      %shift_right_logical3A = arith.constant 7 : i32
      %shift_right_logical3A_66 = vector.broadcast %shift_right_logical3A : i32 to vector<16xi32>
      %shift_right_logical3A_67 = arith.shrui %get3A_65, %shift_right_logical3A_66 : vector<16xi32>
      %swap3A = arith.index_cast %add3A_64 : i32 to index
      %swap3A_68 = tpu.vector_load %arg18[%swap3A] {strides = array<i32>} : memref<128xi32, #tpu.memory_space<vmem>>, vector<16xi32>,
      tpu.vector_store %arg18[%swap3A], %shift_right_logical3A_67 {strides = array<i32>} : memref<128xi32, #tpu.memory_space<vmem>>, vector<16xi32>,
    }
    %scan3A_18 = arith.constant 8 : i32
    %dma_start3A_19 = arith.constant 0 : i32
    %dma_start3A_20 = arith.constant 0 : i32
    %dma_start3A_21 = tpu.memref_slice %arg7[%dma_start3A_19, %dma_start3A_20] : memref<782x128xf32, #tpu.memory_space<hbm>> -> memref<782x128xf32, #tpu.memory_space<hbm>>
    tpu.enqueue_indirect_dma source(%dma_start3A_21 : memref<782x128xf32, #tpu.memory_space<hbm>>) target(%arg19 : memref<128x128xf32, #tpu.memory_space<vmem>>) offsets(%arg18 : memref<128xi32, #tpu.memory_space<vmem>>) semaphore(%arg26 : memref<!tpu.dma_semaphore, #tpu.memory_space<semaphore_mem>>)
    %dma_wait3A = arith.constant 0 : i32
    %dma_wait3A_22 = arith.constant 0 : i32
    %dma_wait3A_23 = tpu.memref_slice %arg7[%dma_wait3A, %dma_wait3A_22] : memref<782x128xf32, #tpu.memory_space<hbm>> -> memref<782x128xf32, #tpu.memory_space<hbm>>
    tpu.wait_indirect_dma semaphore(%arg26 : memref<!tpu.dma_semaphore, #tpu.memory_space<semaphore_mem>>) src(%dma_wait3A_23 : memref<782x128xf32, #tpu.memory_space<hbm>>) dst(%arg19 : memref<128x128xf32, #tpu.memory_space<vmem>>)
    %scan3A_24 = arith.constant 0 : i32
    %scan3A_25 = arith.constant 8 : i32
    %scan3A_26 = arith.addi %scan3A_24, %scan3A_25 : i32
    %scan3A_27 = arith.constant 1 : i32
    scf.for %scan3A_60 = %scan3A_24 to %scan3A_26 step %scan3A_27  : i32 {
      %mul3A_61 = arith.constant 16 : i32
      %mul3A_62 = arith.muli %scan3A_60, %mul3A_61 : i32
      %add3A_63 = arith.constant 0 : i32
      %add3A_64 = arith.addi %add3A_63, %mul3A_62 : i32
      %get3A = arith.index_cast %add3A_64 : i32 to index
      %get3A_65 = tpu.vector_load %arg13[%get3A] {strides = array<i32>} : memref<128xi32, #tpu.memory_space<vmem>>, vector<16xi32>,
      %and3A = arith.constant 127 : i32
      %and3A_66 = vector.broadcast %and3A : i32 to vector<16xi32>
      %and3A_67 = arith.andi %get3A_65, %and3A_66 : vector<16xi32>
      %add3A_68 = vector.broadcast %add3A_64 : i32 to vector<16xi32>
      %add3A_69 = arith.addi %iota3A, %add3A_68 : vector<16xi32>
      %gather3A = tpu.vector_load_idx %arg19[%add3A_69, %and3A_67] : memref<128x128xf32, #tpu.memory_space<vmem>>[vector<16xi32>, vector<16xi32>], vector<16xf32>,
      %swap3A = arith.index_cast %add3A_64 : i32 to index
      %swap3A_70 = tpu.vector_load %arg20[%swap3A] {strides = array<i32>} : memref<128xf32, #tpu.memory_space<vmem>>, vector<16xf32>,
      tpu.vector_store %arg20[%swap3A], %gather3A {strides = array<i32>} : memref<128xf32, #tpu.memory_space<vmem>>, vector<16xf32>,
    }
    %scan3A_28 = arith.constant 8 : i32
    %scan3A_29 = arith.constant 0 : i32
    %scan3A_30 = arith.constant 8 : i32
    %scan3A_31 = arith.addi %scan3A_29, %scan3A_30 : i32
    %scan3A_32 = arith.constant 1 : i32
    scf.for %scan3A_60 = %scan3A_29 to %scan3A_31 step %scan3A_32  : i32 {
      %mul3A_61 = arith.constant 16 : i32
      %mul3A_62 = arith.muli %scan3A_60, %mul3A_61 : i32
      %add3A_63 = arith.constant 0 : i32
      %add3A_64 = arith.addi %add3A_63, %mul3A_62 : i32
      %get3A = arith.index_cast %add3A_64 : i32 to index
      %get3A_65 = tpu.vector_load %arg14[%get3A] {strides = array<i32>} : memref<128xi32, #tpu.memory_space<vmem>>, vector<16xi32>,
      %shift_right_logical3A = arith.constant 7 : i32
      %shift_right_logical3A_66 = vector.broadcast %shift_right_logical3A : i32 to vector<16xi32>
      %shift_right_logical3A_67 = arith.shrui %get3A_65, %shift_right_logical3A_66 : vector<16xi32>
      %swap3A = arith.index_cast %add3A_64 : i32 to index
      %swap3A_68 = tpu.vector_load %arg18[%swap3A] {strides = array<i32>} : memref<128xi32, #tpu.memory_space<vmem>>, vector<16xi32>,
      tpu.vector_store %arg18[%swap3A], %shift_right_logical3A_67 {strides = array<i32>} : memref<128xi32, #tpu.memory_space<vmem>>, vector<16xi32>,
    }
    %scan3A_33 = arith.constant 8 : i32
    %dma_start3A_34 = arith.constant 0 : i32
    %dma_start3A_35 = arith.constant 0 : i32
    %dma_start3A_36 = tpu.memref_slice %arg8[%dma_start3A_34, %dma_start3A_35] : memref<782x128xf32, #tpu.memory_space<hbm>> -> memref<782x128xf32, #tpu.memory_space<hbm>>
    tpu.enqueue_indirect_dma source(%dma_start3A_36 : memref<782x128xf32, #tpu.memory_space<hbm>>) target(%arg19 : memref<128x128xf32, #tpu.memory_space<vmem>>) offsets(%arg18 : memref<128xi32, #tpu.memory_space<vmem>>) semaphore(%arg26 : memref<!tpu.dma_semaphore, #tpu.memory_space<semaphore_mem>>)
    %dma_wait3A_37 = arith.constant 0 : i32
    %dma_wait3A_38 = arith.constant 0 : i32
    %dma_wait3A_39 = tpu.memref_slice %arg8[%dma_wait3A_37, %dma_wait3A_38] : memref<782x128xf32, #tpu.memory_space<hbm>> -> memref<782x128xf32, #tpu.memory_space<hbm>>
    tpu.wait_indirect_dma semaphore(%arg26 : memref<!tpu.dma_semaphore, #tpu.memory_space<semaphore_mem>>) src(%dma_wait3A_39 : memref<782x128xf32, #tpu.memory_space<hbm>>) dst(%arg19 : memref<128x128xf32, #tpu.memory_space<vmem>>)
    %scan3A_40 = arith.constant 0 : i32
    %scan3A_41 = arith.constant 8 : i32
    %scan3A_42 = arith.addi %scan3A_40, %scan3A_41 : i32
    %scan3A_43 = arith.constant 1 : i32
    scf.for %scan3A_60 = %scan3A_40 to %scan3A_42 step %scan3A_43  : i32 {
      %mul3A_61 = arith.constant 16 : i32
      %mul3A_62 = arith.muli %scan3A_60, %mul3A_61 : i32
      %add3A_63 = arith.constant 0 : i32
      %add3A_64 = arith.addi %add3A_63, %mul3A_62 : i32
      %get3A = arith.index_cast %add3A_64 : i32 to index
      %get3A_65 = tpu.vector_load %arg14[%get3A] {strides = array<i32>} : memref<128xi32, #tpu.memory_space<vmem>>, vector<16xi32>,
      %and3A = arith.constant 127 : i32
      %and3A_66 = vector.broadcast %and3A : i32 to vector<16xi32>
      %and3A_67 = arith.andi %get3A_65, %and3A_66 : vector<16xi32>
      %add3A_68 = vector.broadcast %add3A_64 : i32 to vector<16xi32>
      %add3A_69 = arith.addi %iota3A, %add3A_68 : vector<16xi32>
      %gather3A = tpu.vector_load_idx %arg19[%add3A_69, %and3A_67] : memref<128x128xf32, #tpu.memory_space<vmem>>[vector<16xi32>, vector<16xi32>], vector<16xf32>,
      %swap3A = arith.index_cast %add3A_64 : i32 to index
      %swap3A_70 = tpu.vector_load %arg21[%swap3A] {strides = array<i32>} : memref<128xf32, #tpu.memory_space<vmem>>, vector<16xf32>,
      tpu.vector_store %arg21[%swap3A], %gather3A {strides = array<i32>} : memref<128xf32, #tpu.memory_space<vmem>>, vector<16xf32>,
    }
    %scan3A_44 = arith.constant 8 : i32
    %dma_wait3A_45 = arith.constant 0 : i32
    %dma_wait3A_46 = arith.constant 0 : i32
    %dma_wait3A_47 = tpu.memref_slice %arg9[%dma_wait3A_45, %dma_wait3A_46] : memref<100096x256xf32, #tpu.memory_space<hbm>> -> memref<100096x256xf32, #tpu.memory_space<hbm>>
    tpu.wait_indirect_dma semaphore(%arg26 : memref<!tpu.dma_semaphore, #tpu.memory_space<semaphore_mem>>) src(%dma_wait3A_47 : memref<100096x256xf32, #tpu.memory_space<hbm>>) dst(%arg22 : memref<128x256xf32, #tpu.memory_space<vmem>>)
    %dma_wait3A_48 = arith.constant 0 : i32
    %dma_wait3A_49 = arith.constant 0 : i32
    %dma_wait3A_50 = tpu.memref_slice %arg10[%dma_wait3A_48, %dma_wait3A_49] : memref<100096x256xf32, #tpu.memory_space<hbm>> -> memref<100096x256xf32, #tpu.memory_space<hbm>>
    tpu.wait_indirect_dma semaphore(%arg26 : memref<!tpu.dma_semaphore, #tpu.memory_space<semaphore_mem>>) src(%dma_wait3A_50 : memref<100096x256xf32, #tpu.memory_space<hbm>>) dst(%arg23 : memref<128x256xf32, #tpu.memory_space<vmem>>)
    %dma_wait3A_51 = arith.constant 0 : i32
    %dma_wait3A_52 = tpu.memref_slice %arg11[%mul3A_2, %dma_wait3A_51] : memref<4096x256xf32, #tpu.memory_space<hbm>> -> memref<128x256xf32, #tpu.memory_space<hbm>>
    %dma_wait3A_53 = arith.constant 0 : i32
    %dma_wait3A_54 = tpu.memref_slice %arg11[%mul3A_2, %dma_wait3A_53] : memref<4096x256xf32, #tpu.memory_space<hbm>> -> memref<128x256xf32, #tpu.memory_space<hbm>>
    tpu.wait_dma2 semaphore(%arg26 : memref<!tpu.dma_semaphore, #tpu.memory_space<semaphore_mem>>) src(%dma_wait3A_54 : memref<128x256xf32, #tpu.memory_space<hbm>>) dst(%arg24 : memref<128x256xf32, #tpu.memory_space<vmem>>)
    %scan3A_55 = arith.constant 0 : i32
    %scan3A_56 = arith.constant 128 : i32
    %scan3A_57 = arith.addi %scan3A_55, %scan3A_56 : i32
    %scan3A_58 = arith.constant 1 : i32
    scf.for %scan3A_60 = %scan3A_55 to %scan3A_57 step %scan3A_58  : i32 {
      %mul3A_61 = arith.constant 1 : i32
      %mul3A_62 = arith.muli %scan3A_60, %mul3A_61 : i32
      %add3A_63 = arith.constant 0 : i32
      %add3A_64 = arith.addi %add3A_63, %mul3A_62 : i32
      %broadcast_in_dim3A_65 = vector.broadcast %add3A_64 : i32 to vector<16xi32>
      %gather3A = tpu.vector_load_idx %arg16[%broadcast_in_dim3A_65] : memref<128xf32, #tpu.memory_space<vmem>>[vector<16xi32>], vector<16xf32>,
      %broadcast_in_dim3A_66 = vector.broadcast %add3A_64 : i32 to vector<16xi32>
      %gather3A_67 = tpu.vector_load_idx %arg17[%broadcast_in_dim3A_66] : memref<128xf32, #tpu.memory_space<vmem>>[vector<16xi32>], vector<16xf32>,
      %broadcast_in_dim3A_68 = vector.broadcast %add3A_64 : i32 to vector<16xi32>
      %gather3A_69 = tpu.vector_load_idx %arg15[%broadcast_in_dim3A_68] : memref<128xf32, #tpu.memory_space<vmem>>[vector<16xi32>], vector<16xf32>,
      %div3A = arith.divf %gather3A, %gather3A_69 : vector<16xf32>
      %get3A = arith.index_cast %add3A_64 : i32 to index
      %get3A_70 = arith.constant 0 : index
      %get3A_71 = tpu.vector_load %arg22[%get3A, %get3A_70] {strides = array<i32>} : memref<128x256xf32, #tpu.memory_space<vmem>>, vector<16xf32>,
      %get3A_72 = arith.index_cast %add3A_64 : i32 to index
      %get3A_73 = arith.constant 0 : index
      %get3A_74 = tpu.vector_load %arg23[%get3A_72, %get3A_73] {strides = array<i32>} : memref<128x256xf32, #tpu.memory_space<vmem>>, vector<16xf32>,
      %get3A_75 = arith.index_cast %add3A_64 : i32 to index
      %get3A_76 = arith.constant 0 : index
      %get3A_77 = tpu.vector_load %arg24[%get3A_75, %get3A_76] {strides = array<i32>} : memref<128x256xf32, #tpu.memory_space<vmem>>, vector<16xf32>,
      %mul3A_78 = arith.mulf %get3A_71, %gather3A : vector<16xf32>
      %mul3A_79 = arith.mulf %get3A_77, %div3A : vector<16xf32>
      %add3A_80 = arith.addf %mul3A_78, %mul3A_79 : vector<16xf32>
      %mul3A_81 = arith.mulf %get3A_74, %add3A_80 : vector<16xf32>
      %add3A_82 = arith.addf %broadcast_in_dim3A_14, %mul3A_81 : vector<16xf32>
      %get3A_83 = arith.index_cast %add3A_64 : i32 to index
      %get3A_84 = arith.constant 16 : index
      %get3A_85 = tpu.vector_load %arg22[%get3A_83, %get3A_84] {strides = array<i32>} : memref<128x256xf32, #tpu.memory_space<vmem>>, vector<16xf32>,
      %get3A_86 = arith.index_cast %add3A_64 : i32 to index
      %get3A_87 = arith.constant 16 : index
      %get3A_88 = tpu.vector_load %arg23[%get3A_86, %get3A_87] {strides = array<i32>} : memref<128x256xf32, #tpu.memory_space<vmem>>, vector<16xf32>,
      %get3A_89 = arith.index_cast %add3A_64 : i32 to index
      %get3A_90 = arith.constant 16 : index
      %get3A_91 = tpu.vector_load %arg24[%get3A_89, %get3A_90] {strides = array<i32>} : memref<128x256xf32, #tpu.memory_space<vmem>>, vector<16xf32>,
      %mul3A_92 = arith.mulf %get3A_85, %gather3A : vector<16xf32>
      %mul3A_93 = arith.mulf %get3A_91, %div3A : vector<16xf32>
      %add3A_94 = arith.addf %mul3A_92, %mul3A_93 : vector<16xf32>
      %mul3A_95 = arith.mulf %get3A_88, %add3A_94 : vector<16xf32>
      %add3A_96 = arith.addf %add3A_82, %mul3A_95 : vector<16xf32>
      %get3A_97 = arith.index_cast %add3A_64 : i32 to index
      %get3A_98 = arith.constant 32 : index
      %get3A_99 = tpu.vector_load %arg22[%get3A_97, %get3A_98] {strides = array<i32>} : memref<128x256xf32, #tpu.memory_space<vmem>>, vector<16xf32>,
      %get3A_100 = arith.index_cast %add3A_64 : i32 to index
      %get3A_101 = arith.constant 32 : index
      %get3A_102 = tpu.vector_load %arg23[%get3A_100, %get3A_101] {strides = array<i32>} : memref<128x256xf32, #tpu.memory_space<vmem>>, vector<16xf32>,
      %get3A_103 = arith.index_cast %add3A_64 : i32 to index
      %get3A_104 = arith.constant 32 : index
      %get3A_105 = tpu.vector_load %arg24[%get3A_103, %get3A_104] {strides = array<i32>} : memref<128x256xf32, #tpu.memory_space<vmem>>, vector<16xf32>,
      %mul3A_106 = arith.mulf %get3A_99, %gather3A : vector<16xf32>
      %mul3A_107 = arith.mulf %get3A_105, %div3A : vector<16xf32>
      %add3A_108 = arith.addf %mul3A_106, %mul3A_107 : vector<16xf32>
      %mul3A_109 = arith.mulf %get3A_102, %add3A_108 : vector<16xf32>
      %add3A_110 = arith.addf %add3A_96, %mul3A_109 : vector<16xf32>
      %get3A_111 = arith.index_cast %add3A_64 : i32 to index
      %get3A_112 = arith.constant 48 : index
      %get3A_113 = tpu.vector_load %arg22[%get3A_111, %get3A_112] {strides = array<i32>} : memref<128x256xf32, #tpu.memory_space<vmem>>, vector<16xf32>,
      %get3A_114 = arith.index_cast %add3A_64 : i32 to index
      %get3A_115 = arith.constant 48 : index
      %get3A_116 = tpu.vector_load %arg23[%get3A_114, %get3A_115] {strides = array<i32>} : memref<128x256xf32, #tpu.memory_space<vmem>>, vector<16xf32>,
      %get3A_117 = arith.index_cast %add3A_64 : i32 to index
      %get3A_118 = arith.constant 48 : index
      %get3A_119 = tpu.vector_load %arg24[%get3A_117, %get3A_118] {strides = array<i32>} : memref<128x256xf32, #tpu.memory_space<vmem>>, vector<16xf32>,
      %mul3A_120 = arith.mulf %get3A_113, %gather3A : vector<16xf32>
      %mul3A_121 = arith.mulf %get3A_119, %div3A : vector<16xf32>
      %add3A_122 = arith.addf %mul3A_120, %mul3A_121 : vector<16xf32>
      %mul3A_123 = arith.mulf %get3A_116, %add3A_122 : vector<16xf32>
      %add3A_124 = arith.addf %add3A_110, %mul3A_123 : vector<16xf32>
      %get3A_125 = arith.index_cast %add3A_64 : i32 to index
      %get3A_126 = arith.constant 64 : index
      %get3A_127 = tpu.vector_load %arg22[%get3A_125, %get3A_126] {strides = array<i32>} : memref<128x256xf32, #tpu.memory_space<vmem>>, vector<16xf32>,
      %get3A_128 = arith.index_cast %add3A_64 : i32 to index
      %get3A_129 = arith.constant 64 : index
      %get3A_130 = tpu.vector_load %arg23[%get3A_128, %get3A_129] {strides = array<i32>} : memref<128x256xf32, #tpu.memory_space<vmem>>, vector<16xf32>,
      %get3A_131 = arith.index_cast %add3A_64 : i32 to index
      %get3A_132 = arith.constant 64 : index
      %get3A_133 = tpu.vector_load %arg24[%get3A_131, %get3A_132] {strides = array<i32>} : memref<128x256xf32, #tpu.memory_space<vmem>>, vector<16xf32>,
      %mul3A_134 = arith.mulf %get3A_127, %gather3A : vector<16xf32>
      %mul3A_135 = arith.mulf %get3A_133, %div3A : vector<16xf32>
      %add3A_136 = arith.addf %mul3A_134, %mul3A_135 : vector<16xf32>
      %mul3A_137 = arith.mulf %get3A_130, %add3A_136 : vector<16xf32>
      %add3A_138 = arith.addf %add3A_124, %mul3A_137 : vector<16xf32>
      %get3A_139 = arith.index_cast %add3A_64 : i32 to index
      %get3A_140 = arith.constant 80 : index
      %get3A_141 = tpu.vector_load %arg22[%get3A_139, %get3A_140] {strides = array<i32>} : memref<128x256xf32, #tpu.memory_space<vmem>>, vector<16xf32>,
      %get3A_142 = arith.index_cast %add3A_64 : i32 to index
      %get3A_143 = arith.constant 80 : index
      %get3A_144 = tpu.vector_load %arg23[%get3A_142, %get3A_143] {strides = array<i32>} : memref<128x256xf32, #tpu.memory_space<vmem>>, vector<16xf32>,
      %get3A_145 = arith.index_cast %add3A_64 : i32 to index
      %get3A_146 = arith.constant 80 : index
      %get3A_147 = tpu.vector_load %arg24[%get3A_145, %get3A_146] {strides = array<i32>} : memref<128x256xf32, #tpu.memory_space<vmem>>, vector<16xf32>,
      %mul3A_148 = arith.mulf %get3A_141, %gather3A : vector<16xf32>
      %mul3A_149 = arith.mulf %get3A_147, %div3A : vector<16xf32>
      %add3A_150 = arith.addf %mul3A_148, %mul3A_149 : vector<16xf32>
      %mul3A_151 = arith.mulf %get3A_144, %add3A_150 : vector<16xf32>
      %add3A_152 = arith.addf %add3A_138, %mul3A_151 : vector<16xf32>
      %get3A_153 = arith.index_cast %add3A_64 : i32 to index
      %get3A_154 = arith.constant 96 : index
      %get3A_155 = tpu.vector_load %arg22[%get3A_153, %get3A_154] {strides = array<i32>} : memref<128x256xf32, #tpu.memory_space<vmem>>, vector<16xf32>,
      %get3A_156 = arith.index_cast %add3A_64 : i32 to index
      %get3A_157 = arith.constant 96 : index
      %get3A_158 = tpu.vector_load %arg23[%get3A_156, %get3A_157] {strides = array<i32>} : memref<128x256xf32, #tpu.memory_space<vmem>>, vector<16xf32>,
      %get3A_159 = arith.index_cast %add3A_64 : i32 to index
      %get3A_160 = arith.constant 96 : index
      %get3A_161 = tpu.vector_load %arg24[%get3A_159, %get3A_160] {strides = array<i32>} : memref<128x256xf32, #tpu.memory_space<vmem>>, vector<16xf32>,
      %mul3A_162 = arith.mulf %get3A_155, %gather3A : vector<16xf32>
      %mul3A_163 = arith.mulf %get3A_161, %div3A : vector<16xf32>
      %add3A_164 = arith.addf %mul3A_162, %mul3A_163 : vector<16xf32>
      %mul3A_165 = arith.mulf %get3A_158, %add3A_164 : vector<16xf32>
      %add3A_166 = arith.addf %add3A_152, %mul3A_165 : vector<16xf32>
      %get3A_167 = arith.index_cast %add3A_64 : i32 to index
      %get3A_168 = arith.constant 112 : index
      %get3A_169 = tpu.vector_load %arg22[%get3A_167, %get3A_168] {strides = array<i32>} : memref<128x256xf32, #tpu.memory_space<vmem>>, vector<16xf32>,
      %get3A_170 = arith.index_cast %add3A_64 : i32 to index
      %get3A_171 = arith.constant 112 : index
      %get3A_172 = tpu.vector_load %arg23[%get3A_170, %get3A_171] {strides = array<i32>} : memref<128x256xf32, #tpu.memory_space<vmem>>, vector<16xf32>,
      %get3A_173 = arith.index_cast %add3A_64 : i32 to index
      %get3A_174 = arith.constant 112 : index
      %get3A_175 = tpu.vector_load %arg24[%get3A_173, %get3A_174] {strides = array<i32>} : memref<128x256xf32, #tpu.memory_space<vmem>>, vector<16xf32>,
      %mul3A_176 = arith.mulf %get3A_169, %gather3A : vector<16xf32>
      %mul3A_177 = arith.mulf %get3A_175, %div3A : vector<16xf32>
      %add3A_178 = arith.addf %mul3A_176, %mul3A_177 : vector<16xf32>
      %mul3A_179 = arith.mulf %get3A_172, %add3A_178 : vector<16xf32>
      %add3A_180 = arith.addf %add3A_166, %mul3A_179 : vector<16xf32>
      %get3A_181 = arith.index_cast %add3A_64 : i32 to index
      %get3A_182 = arith.constant 128 : index
      %get3A_183 = tpu.vector_load %arg22[%get3A_181, %get3A_182] {strides = array<i32>} : memref<128x256xf32, #tpu.memory_space<vmem>>, vector<16xf32>,
      %get3A_184 = arith.index_cast %add3A_64 : i32 to index
      %get3A_185 = arith.constant 128 : index
      %get3A_186 = tpu.vector_load %arg23[%get3A_184, %get3A_185] {strides = array<i32>} : memref<128x256xf32, #tpu.memory_space<vmem>>, vector<16xf32>,
      %get3A_187 = arith.index_cast %add3A_64 : i32 to index
      %get3A_188 = arith.constant 128 : index
      %get3A_189 = tpu.vector_load %arg24[%get3A_187, %get3A_188] {strides = array<i32>} : memref<128x256xf32, #tpu.memory_space<vmem>>, vector<16xf32>,
      %mul3A_190 = arith.mulf %get3A_183, %gather3A : vector<16xf32>
      %mul3A_191 = arith.mulf %get3A_189, %div3A : vector<16xf32>
      %add3A_192 = arith.addf %mul3A_190, %mul3A_191 : vector<16xf32>
      %mul3A_193 = arith.mulf %get3A_186, %add3A_192 : vector<16xf32>
      %add3A_194 = arith.addf %add3A_180, %mul3A_193 : vector<16xf32>
      %get3A_195 = arith.index_cast %add3A_64 : i32 to index
      %get3A_196 = arith.constant 144 : index
      %get3A_197 = tpu.vector_load %arg22[%get3A_195, %get3A_196] {strides = array<i32>} : memref<128x256xf32, #tpu.memory_space<vmem>>, vector<16xf32>,
      %get3A_198 = arith.index_cast %add3A_64 : i32 to index
      %get3A_199 = arith.constant 144 : index
      %get3A_200 = tpu.vector_load %arg23[%get3A_198, %get3A_199] {strides = array<i32>} : memref<128x256xf32, #tpu.memory_space<vmem>>, vector<16xf32>,
      %get3A_201 = arith.index_cast %add3A_64 : i32 to index
      %get3A_202 = arith.constant 144 : index
      %get3A_203 = tpu.vector_load %arg24[%get3A_201, %get3A_202] {strides = array<i32>} : memref<128x256xf32, #tpu.memory_space<vmem>>, vector<16xf32>,
      %mul3A_204 = arith.mulf %get3A_197, %gather3A : vector<16xf32>
      %mul3A_205 = arith.mulf %get3A_203, %div3A : vector<16xf32>
      %add3A_206 = arith.addf %mul3A_204, %mul3A_205 : vector<16xf32>
      %mul3A_207 = arith.mulf %get3A_200, %add3A_206 : vector<16xf32>
      %add3A_208 = arith.addf %add3A_194, %mul3A_207 : vector<16xf32>
      %get3A_209 = arith.index_cast %add3A_64 : i32 to index
      %get3A_210 = arith.constant 160 : index
      %get3A_211 = tpu.vector_load %arg22[%get3A_209, %get3A_210] {strides = array<i32>} : memref<128x256xf32, #tpu.memory_space<vmem>>, vector<16xf32>,
      %get3A_212 = arith.index_cast %add3A_64 : i32 to index
      %get3A_213 = arith.constant 160 : index
      %get3A_214 = tpu.vector_load %arg23[%get3A_212, %get3A_213] {strides = array<i32>} : memref<128x256xf32, #tpu.memory_space<vmem>>, vector<16xf32>,
      %get3A_215 = arith.index_cast %add3A_64 : i32 to index
      %get3A_216 = arith.constant 160 : index
      %get3A_217 = tpu.vector_load %arg24[%get3A_215, %get3A_216] {strides = array<i32>} : memref<128x256xf32, #tpu.memory_space<vmem>>, vector<16xf32>,
      %mul3A_218 = arith.mulf %get3A_211, %gather3A : vector<16xf32>
      %mul3A_219 = arith.mulf %get3A_217, %div3A : vector<16xf32>
      %add3A_220 = arith.addf %mul3A_218, %mul3A_219 : vector<16xf32>
      %mul3A_221 = arith.mulf %get3A_214, %add3A_220 : vector<16xf32>
      %add3A_222 = arith.addf %add3A_208, %mul3A_221 : vector<16xf32>
      %get3A_223 = arith.index_cast %add3A_64 : i32 to index
      %get3A_224 = arith.constant 176 : index
      %get3A_225 = tpu.vector_load %arg22[%get3A_223, %get3A_224] {strides = array<i32>} : memref<128x256xf32, #tpu.memory_space<vmem>>, vector<16xf32>,
      %get3A_226 = arith.index_cast %add3A_64 : i32 to index
      %get3A_227 = arith.constant 176 : index
      %get3A_228 = tpu.vector_load %arg23[%get3A_226, %get3A_227] {strides = array<i32>} : memref<128x256xf32, #tpu.memory_space<vmem>>, vector<16xf32>,
      %get3A_229 = arith.index_cast %add3A_64 : i32 to index
      %get3A_230 = arith.constant 176 : index
      %get3A_231 = tpu.vector_load %arg24[%get3A_229, %get3A_230] {strides = array<i32>} : memref<128x256xf32, #tpu.memory_space<vmem>>, vector<16xf32>,
      %mul3A_232 = arith.mulf %get3A_225, %gather3A : vector<16xf32>
      %mul3A_233 = arith.mulf %get3A_231, %div3A : vector<16xf32>
      %add3A_234 = arith.addf %mul3A_232, %mul3A_233 : vector<16xf32>
      %mul3A_235 = arith.mulf %get3A_228, %add3A_234 : vector<16xf32>
      %add3A_236 = arith.addf %add3A_222, %mul3A_235 : vector<16xf32>
      %get3A_237 = arith.index_cast %add3A_64 : i32 to index
      %get3A_238 = arith.constant 192 : index
      %get3A_239 = tpu.vector_load %arg22[%get3A_237, %get3A_238] {strides = array<i32>} : memref<128x256xf32, #tpu.memory_space<vmem>>, vector<16xf32>,
      %get3A_240 = arith.index_cast %add3A_64 : i32 to index
      %get3A_241 = arith.constant 192 : index
      %get3A_242 = tpu.vector_load %arg23[%get3A_240, %get3A_241] {strides = array<i32>} : memref<128x256xf32, #tpu.memory_space<vmem>>, vector<16xf32>,
      %get3A_243 = arith.index_cast %add3A_64 : i32 to index
      %get3A_244 = arith.constant 192 : index
      %get3A_245 = tpu.vector_load %arg24[%get3A_243, %get3A_244] {strides = array<i32>} : memref<128x256xf32, #tpu.memory_space<vmem>>, vector<16xf32>,
      %mul3A_246 = arith.mulf %get3A_239, %gather3A : vector<16xf32>
      %mul3A_247 = arith.mulf %get3A_245, %div3A : vector<16xf32>
      %add3A_248 = arith.addf %mul3A_246, %mul3A_247 : vector<16xf32>
      %mul3A_249 = arith.mulf %get3A_242, %add3A_248 : vector<16xf32>
      %select_n3A = arith.select %lt3A_13, %mul3A_249, %broadcast_in_dim3A_14 : vector<16xi1>, vector<16xf32>
      %add3A_250 = arith.addf %add3A_236, %select_n3A : vector<16xf32>
      %reduce_sum3A = arith.constant true
      %reduce_sum3A_251 = vector.broadcast %reduce_sum3A : i1 to vector<16xi1>
      %reduce_sum3A_252 = tpu.scan <sum>, %add3A_250 masked %reduce_sum3A_251 : vector<16xf32>, vector<16xi1> -> vector<16xf32>
      %reduce_sum3A_253 = vector.extract %reduce_sum3A_252[15] : f32 from vector<16xf32>
      %broadcast_in_dim3A_254 = vector.broadcast %add3A_64 : i32 to vector<16xi32>
      %gather3A_255 = tpu.vector_load_idx %arg20[%broadcast_in_dim3A_254] : memref<128xf32, #tpu.memory_space<vmem>>[vector<16xi32>], vector<16xf32>,
      %broadcast_in_dim3A_256 = vector.broadcast %add3A_64 : i32 to vector<16xi32>
      %gather3A_257 = tpu.vector_load_idx %arg21[%broadcast_in_dim3A_256] : memref<128xf32, #tpu.memory_space<vmem>>[vector<16xi32>], vector<16xf32>,
      %broadcast_in_dim3A_258 = vector.broadcast %reduce_sum3A_253 : f32 to vector<16xf32>
      %mul3A_259 = arith.mulf %gather3A_67, %broadcast_in_dim3A_258 : vector<16xf32>
      %mul3A_260 = arith.mulf %gather3A_257, %gather3A_67 : vector<16xf32>
      %add3A_261 = arith.addf %mul3A_259, %mul3A_260 : vector<16xf32>
      %mul3A_262 = arith.mulf %gather3A_255, %gather3A : vector<16xf32>
      %add3A_263 = arith.addf %add3A_261, %mul3A_262 : vector<16xf32>
      %add3A_264 = arith.constant 3.500000e+00 : f32
      %add3A_265 = vector.broadcast %add3A_264 : f32 to vector<16xf32>
      %add3A_266 = arith.addf %add3A_263, %add3A_265 : vector<16xf32>
      %broadcast_in_dim3A_267 = vector.broadcast %add3A_64 : i32 to vector<16xi32>
      %eq3A = arith.constant 0 : i32
      %eq3A_268 = vector.broadcast %eq3A : i32 to vector<16xi32>
      %eq3A_269 = arith.cmpi eq, %iota3A, %eq3A_268 : vector<16xi32>
      tpu.vector_store_idx %arg25[%broadcast_in_dim3A_267], %add3A_266 masked %eq3A_269 : memref<128xf32, #tpu.memory_space<vmem>>[vector<16xi32>], vector<16xf32>, vector<16xi1>
    }
    %scan3A_59 = arith.constant 128 : i32
    "tpu.region"() ({
      %run_scoped3A = tpu.sem_alloc : memref<!tpu.dma_semaphore, #tpu.memory_space<semaphore_mem>>
      %dma_start3A_60 = tpu.memref_slice %arg12[%mul3A_2] : memref<4096xf32, #tpu.memory_space<hbm>> -> memref<128xf32, #tpu.memory_space<hbm>>
      %dma_start3A_61 = tpu.memref_slice %arg12[%mul3A_2] : memref<4096xf32, #tpu.memory_space<hbm>> -> memref<128xf32, #tpu.memory_space<hbm>>
      tpu.enqueue_dma source(%arg25 : memref<128xf32, #tpu.memory_space<vmem>>) target(%dma_start3A_61 : memref<128xf32, #tpu.memory_space<hbm>>) target_semaphore(%run_scoped3A : memref<!tpu.dma_semaphore, #tpu.memory_space<semaphore_mem>>)
      %dma_wait3A_62 = tpu.memref_slice %arg12[%mul3A_2] : memref<4096xf32, #tpu.memory_space<hbm>> -> memref<128xf32, #tpu.memory_space<hbm>>
      %dma_wait3A_63 = tpu.memref_slice %arg12[%mul3A_2] : memref<4096xf32, #tpu.memory_space<hbm>> -> memref<128xf32, #tpu.memory_space<hbm>>
      tpu.wait_dma2 semaphore(%run_scoped3A : memref<!tpu.dma_semaphore, #tpu.memory_space<semaphore_mem>>) src(%arg25 : memref<128xf32, #tpu.memory_space<vmem>>) dst(%dma_wait3A_63 : memref<128xf32, #tpu.memory_space<hbm>>)
      tpu.yield
    }) : () -> ()
    return
  }
}

module attributes {stable_mosaic.version = 14 : i64} {
  func.func @body(%arg0: i32, %arg1: memref<128x2176xf32, #tpu.memory_space<vmem>>, %arg2: memref<128x2176xf32, #tpu.memory_space<vmem>>, %arg3: memref<557056xf32, #tpu.memory_space<vmem>>) attributes {dimension_semantics = [#tpu.dimension_semantics<arbitrary>], iteration_bounds = array<i64: 46>, scalar_prefetch = 0 : i64, scratch_operands = 0 : i64, tpu.core_type = #tpu.core_type<tc>, window_params = [{transform_indices = @transform_0, window_bounds = array<i64: 128, 2176>}, {transform_indices = @transform_1, window_bounds = array<i64: 128, 2176>}, {transform_indices = @transform_2, window_bounds = array<i64: 557056>}]} {
    %get3A = arith.constant 0 : index
    %get3A_0 = arith.constant 0 : index
    %get3A_1 = vector.load %arg2[%get3A, %get3A_0] : memref<128x2176xf32, #tpu.memory_space<vmem>>, vector<128x2176xf32>
    %transpose3A = tpu.transpose %get3A_1, [1, 0] : vector<128x2176xf32> -> vector<2176x128xf32>
    %iota3A = tpu.iota {dimensions = array<i32: 1>} : vector<2176x128xi32>
    %lt3A = arith.constant 72 : i32
    %lt3A_2 = vector.broadcast %lt3A : i32 to vector<2176x128xi32>
    %lt3A_3 = arith.cmpi slt, %iota3A, %lt3A_2 : vector<2176x128xi32>
    %jit3A = arith.constant 0.000000e+00 : f32
    %broadcast_in_dim3A = vector.broadcast %jit3A : f32 to vector<2176x128xf32>
    %select_n3A = arith.select %lt3A_3, %transpose3A, %broadcast_in_dim3A : vector<2176x128xi1>, vector<2176x128xf32>
    %get3A_4 = arith.constant 0 : index
    %get3A_5 = arith.constant 0 : index
    %get3A_6 = vector.load %arg1[%get3A_4, %get3A_5] : memref<128x2176xf32, #tpu.memory_space<vmem>>, vector<128x2176xf32>
    %transpose3A_7 = tpu.transpose %get3A_6, [1, 0] : vector<128x2176xf32> -> vector<2176x128xf32>
    %concatenate3A = tpu.concatenate %transpose3A_7, %select_n3A in 1 : vector<2176x128xf32>, vector<2176x128xf32> -> vector<2176x256xf32>
    %reshape3A = vector.shape_cast %concatenate3A : vector<2176x256xf32> to vector<557056xf32>
    %swap3A = arith.constant 0 : index
    %swap3A_8 = vector.load %arg3[%swap3A] : memref<557056xf32, #tpu.memory_space<vmem>>, vector<557056xf32>
    tpu.vector_store %arg3[%swap3A], %reshape3A {strides = array<i32>} : memref<557056xf32, #tpu.memory_space<vmem>>, vector<557056xf32>,
    return
  }
  func.func @transform_0(%arg0: i32) -> (i32, i32) {
    %c0_i32 = arith.constant 0 : i32
    %c0_i32_0 = arith.constant 0 : i32
    return %c0_i32, %arg0 : i32, i32
  }
  func.func @transform_1(%arg0: i32) -> (i32, i32) {
    %c1_i32 = arith.constant 1 : i32
    %c0_i32 = arith.constant 0 : i32
    return %c1_i32, %arg0 : i32, i32
  }
  func.func @transform_2(%arg0: i32) -> i32 {
    %c0_i32 = arith.constant 0 : i32
    return %arg0 : i32
  }
}

module attributes {stable_mosaic.version = 14 : i64} {
  func.func @body(%arg0: i32, %arg1: memref<128x2176xf32, #tpu.memory_space<vmem>>, %arg2: memref<128x2176xf32, #tpu.memory_space<vmem>>, %arg3: memref<557056xf32, #tpu.memory_space<vmem>>) attributes {dimension_semantics = [#tpu.dimension_semantics<arbitrary>], iteration_bounds = array<i64: 46>, scalar_prefetch = 0 : i64, scratch_operands = 0 : i64, tpu.core_type = #tpu.core_type<tc>, window_params = [{transform_indices = @transform_0, window_bounds = array<i64: 128, 2176>}, {transform_indices = @transform_1, window_bounds = array<i64: 128, 2176>}, {transform_indices = @transform_2, window_bounds = array<i64: 557056>}]} {
    %get3A = arith.constant 0 : index
    %get3A_0 = arith.constant 0 : index
    %get3A_1 = vector.load %arg2[%get3A, %get3A_0] : memref<128x2176xf32, #tpu.memory_space<vmem>>, vector<128x2176xf32>
    %transpose3A = tpu.transpose %get3A_1, [1, 0] : vector<128x2176xf32> -> vector<2176x128xf32>
    %iota3A = tpu.iota {dimensions = array<i32: 1>} : vector<2176x128xi32>
    %lt3A = arith.constant 72 : i32
    %lt3A_2 = vector.broadcast %lt3A : i32 to vector<2176x128xi32>
    %lt3A_3 = arith.cmpi slt, %iota3A, %lt3A_2 : vector<2176x128xi32>
    %jit3A = arith.constant 0.000000e+00 : f32
    %broadcast_in_dim3A = vector.broadcast %jit3A : f32 to vector<2176x128xf32>
    %select_n3A = arith.select %lt3A_3, %transpose3A, %broadcast_in_dim3A : vector<2176x128xi1>, vector<2176x128xf32>
    %get3A_4 = arith.constant 0 : index
    %get3A_5 = arith.constant 0 : index
    %get3A_6 = vector.load %arg1[%get3A_4, %get3A_5] : memref<128x2176xf32, #tpu.memory_space<vmem>>, vector<128x2176xf32>
    %transpose3A_7 = tpu.transpose %get3A_6, [1, 0] : vector<128x2176xf32> -> vector<2176x128xf32>
    %concatenate3A = tpu.concatenate %transpose3A_7, %select_n3A in 1 : vector<2176x128xf32>, vector<2176x128xf32> -> vector<2176x256xf32>
    %reshape3A = vector.shape_cast %concatenate3A : vector<2176x256xf32> to vector<557056xf32>
    %swap3A = arith.constant 0 : index
    %swap3A_8 = vector.load %arg3[%swap3A] : memref<557056xf32, #tpu.memory_space<vmem>>, vector<557056xf32>
    tpu.vector_store %arg3[%swap3A], %reshape3A {strides = array<i32>} : memref<557056xf32, #tpu.memory_space<vmem>>, vector<557056xf32>,
    return
  }
  func.func @transform_0(%arg0: i32) -> (i32, i32) {
    %c0_i32 = arith.constant 0 : i32
    %c0_i32_0 = arith.constant 0 : i32
    return %c0_i32, %arg0 : i32, i32
  }
  func.func @transform_1(%arg0: i32) -> (i32, i32) {
    %c1_i32 = arith.constant 1 : i32
    %c0_i32 = arith.constant 0 : i32
    return %c1_i32, %arg0 : i32, i32
  }
  func.func @transform_2(%arg0: i32) -> i32 {
    %c0_i32 = arith.constant 0 : i32
    return %arg0 : i32
  }
}

</mosaic_0001>

<sc_bundles>
// kernel: kernel.10.cloned.1.call-start
scs
__scs_entry_jumppad:
0x0: {  	(pc) =	sbr.rel $0x88, $3  }
0x1: {  	(tag) =	ssettag $0x0;
	lr =	simm.s32 $0x1  }
0x2: {  	[smem:$0x3F96] =	sst lr;
	_ =	strace $0xD0000000  }
0x3: {  	_ = 	snop  }
0x4: {  	_ = 	snop  }
0x5: {  	_ = 	snop  }
0x6: {  	_ = 	snop  }
0x7: {  	_ = 	snop  }
__scs_overlays_trampoline_lowered:
0x8: {  	[smem:$0x3FA5] =	sst s0  }
0x9: {  	[smem:$0x3FA6] =	sst s1  }
0xa: {  	[smem:$0x3FA7] =	sst s2  }
0xb: {  	[smem:$0x3FA8] =	sst s3  }
0xc: {  	[smem:$0x3FA9] =	sst s4  }
0xd: {  	[smem:$0x3FAA] =	sst s5  }
0xe: {  	[smem:$0x3FAB] =	sst s6  }
0xf: {  	[smem:$0x3FAC] =	sst s7  }
0x10: {  	[smem:$0x3FAD] =	sst s8  }
0x11: {  	[smem:$0x3FAE] =	sst s9;
	s0 =	simm.s32 @!p0 $0x0  }
0x12: {  	s1 =	sld [smem:$0x3F94];
	s0 =	simm.s32 @p0 $0x1  }
0x13: {  	[smem:$0x3FAF] =	sst s0;
	s0 =	simm.s32 @!p1 $0x0  }
0x14: {  	s2 =	sld [smem:$0x3F93];
	s0 =	simm.s32 @p1 $0x1  }
0x15: {  	[smem:$0x3FB0] =	sst s0;
	s0 =	simm.s32 @!p2 $0x0  }
0x16: {  	s3 =	sld [smem:$0x3FDB];
	s0 =	simm.s32 @p2 $0x1  }
0x17: {  	s4 =	simm.s32 $0x1BF5;
	[smem:$0x3FB2] =	sst s0  }
0x18: {  	s0 =	sld [smem:$0x3F95];
	_ =	swait.ge [sflag:s4], $0x0  }
0x19: {  	s7 =	sld [smem:$0x3F96]  }
0x1a: {  	s8 =	sadd.s32 $0xFFFFE003, lr  }
0x1b: {  	s9 =	sadd.s32 $0xFFFFFEF7, lr;
	s5 =	simm.s32 $0xFFFFFFFF;
	p2 =	slt.u32 s8, $0xFFFFF086  }
0x1c: {  	p1 =	slt.u32 s9, $0xF7A;
	s5 =	simm.s32 @!p2 $0x0  }
0x1d: {  	s5 =	simm.s32 @p1 $0x1;
	p0 =	seq.s32 s7, s2  }
0x1e: {  	s7 =	smul.u32 @!p0 $0xF7A, s2;
	p2 =	seq.s32 @!p0 s5, $0x0  }
0x1f: {  	s9 =	smul.u32 $0xF7A, s1;
	s8 =	simm.s32 @!p0 $0x1BF5;
	p2 =	por !p2, p0  }
0x20: {  	[sflag:s8] =	ssyncset.s32 @!p0 $0xFFFFF086;
	s6 =	sadd.s32 @!p0 s3, s7;
	s7 =	simm.s32 @!p0 $0x108  }
0x21: {  	s3 =	sadd.s32 s3, s9;
	s6 =	sadd.s32 @!p0 $0x88, s6;
	s7 =	simm.s32 @p2 $0x1082  }
0x22: {  	[simem:s7], [sflag:s8] =	dma.local @!p0 [hbm:s6], $0xF7A  }
0x23: {  	s9 =	sor.u32 $0xD0000000, s2;
	s6 =	simm.s32 $0x108;
	_ =	swait.ge @!p0 [sflag:s8], $0x0  }
0x24: {  	s3 =	sadd.s32 $0x88, s3;
	s6 =	simm.s32 @!p1 $0x1082;
	[sflag:s4] =	ssyncset.s32 $0xFFFFF086  }
0x25: {  	[simem:s6], [sflag:s4] =	dma.local [hbm:s3], $0xF7A  }
0x26: {  	[smem:$0x3F96] =	sst s1;
	(tag) =	ssettag s2;
	_ =	strace s9  }
0x27: {  	s1 =	sld [smem:$0x3FA6]  }
0x28: {  	s2 =	sld [smem:$0x3FA7]  }
0x29: {  	s4 =	sld [smem:$0x3FA9]  }
0x2a: {  	p0 =	seq.s32 s5, $0x0;
	s5 =	sld [smem:$0x3FAA]  }
0x2b: {  	s6 =	sld [smem:$0x3FAB]  }
0x2c: {  	s7 =	sld [smem:$0x3FAC]  }
0x2d: {  	s3 =	simm.s32 $0x108;
	s8 =	sld [smem:$0x3FAD]  }
0x2e: {  	s3 =	simm.s32 @!p0 $0x1082;
	s9 =	sld [smem:$0x3FAE]  }
0x2f: {  	lr =	sadd.s32 s0, s3;
	s0 =	sld [smem:$0x3FA5]  }
0x30: {  	s3 =	sld [smem:$0x3FA8]  }
0x31: {  	[smem:$0x3FB1] =	sst s10  }
0x32: {  	s10 =	sld [smem:$0x3FAF];
	_ =	sdelay $0x3  }
0x33: {  	p0 =	seq.s32 s10, $0x1;
	s10 =	sld [smem:$0x3FB1];
	_ =	sdelay $0x3  }
0x34: {  	[smem:$0x3FB1] =	sst s10  }
0x35: {  	s10 =	sld [smem:$0x3FB0];
	_ =	sdelay $0x3  }
0x36: {  	p1 =	seq.s32 s10, $0x1;
	s10 =	sld [smem:$0x3FB1];
	_ =	sdelay $0x3  }
0x37: {  	[smem:$0x3FB1] =	sst s10  }
0x38: {  	s10 =	sld [smem:$0x3FB2]  }
0x39: {  	_ = 	snop;
	(pc) =	sbr.ind lr, $3  }
0x3a: {  	_ = 	snop  }
0x3b: {  	_ = 	snop  }
0x3c: {  	p2 =	seq.s32 s10, $0x1;
	s10 =	sld [smem:$0x3FB1]  }
0x3d: {  	_ =	shalt  }
0x3e: {  	_ =	shalt  }
0x3f: {  	_ =	shalt  }
0x40: {  	_ =	shalt  }
0x41: {  	_ =	shalt  }
0x42: {  	_ =	shalt  }
0x43: {  	_ =	shalt  }
0x44: {  	_ =	shalt  }
0x45: {  	_ =	shalt  }
0x46: {  	_ =	shalt  }
0x47: {  	_ =	shalt  }
0x48: {  	_ =	shalt  }
0x49: {  	_ =	shalt  }
0x4a: {  	_ =	shalt  }
0x4b: {  	_ =	shalt  }
0x4c: {  	_ =	shalt  }
0x4d: {  	_ =	shalt  }
0x4e: {  	_ =	shalt  }
0x4f: {  	_ =	shalt  }
0x50: {  	_ =	shalt  }
0x51: {  	_ =	shalt  }
0x52: {  	_ =	shalt  }
0x53: {  	_ =	shalt  }
0x54: {  	_ =	shalt  }
0x55: {  	_ =	shalt  }
0x56: {  	_ =	shalt  }
0x57: {  	_ =	shalt  }
0x58: {  	_ =	shalt  }
0x59: {  	_ =	shalt  }
0x5a: {  	_ =	shalt  }
0x5b: {  	_ =	shalt  }
0x5c: {  	_ =	shalt  }
0x5d: {  	_ =	shalt  }
0x5e: {  	_ =	shalt  }
0x5f: {  	_ =	shalt  }
0x60: {  	_ =	shalt  }
0x61: {  	_ =	shalt  }
0x62: {  	_ =	shalt  }
0x63: {  	_ =	shalt  }
0x64: {  	_ =	shalt  }
0x65: {  	_ =	shalt  }
0x66: {  	_ =	shalt  }
0x67: {  	_ =	shalt  }
0x68: {  	_ =	shalt  }
0x69: {  	_ =	shalt  }
0x6a: {  	_ =	shalt  }
0x6b: {  	_ =	shalt  }
0x6c: {  	_ =	shalt  }
0x6d: {  	_ =	shalt  }
0x6e: {  	_ =	shalt  }
0x6f: {  	_ =	shalt  }
0x70: {  	_ =	shalt  }
0x71: {  	_ =	shalt  }
0x72: {  	_ =	shalt  }
0x73: {  	_ =	shalt  }
0x74: {  	_ =	shalt  }
0x75: {  	_ =	shalt  }
0x76: {  	_ =	shalt  }
0x77: {  	_ =	shalt  }
0x78: {  	_ =	shalt  }
0x79: {  	_ =	shalt  }
0x7a: {  	_ =	shalt  }
0x7b: {  	_ =	shalt  }
0x7c: {  	_ =	shalt  }
0x7d: {  	_ =	shalt  }
0x7e: {  	_ =	shalt  }
0x7f: {  	_ =	shalt  }
0x80: {  	_ =	shalt  }
0x81: {  	_ =	shalt  }
0x82: {  	_ =	shalt  }
0x83: {  	_ =	shalt  }
0x84: {  	_ =	shalt  }
0x85: {  	_ =	shalt  }
0x86: {  	_ =	shalt  }
0x87: {  	_ =	shalt  }
.Lfunc_end0:
.L_simem_size_0:
called_computation.1_lowered:
.L_overlay_start_0:
0x88: {  	s2 =	sld [smem:$0x3FD9]  }
0x89: {  	s3 =	sld [smem:$0x3FFE];
	_ =	sdelay $0x1  }
0x8a: {  	s1 =	srdreg.scid  }
0x8b: {  	s0 =	sand.u32 $0x1, s1  }
0x8c: {  	s17 =	sshll.u32 s0, $0xA;
	s2 =	sadd.s32 s3, s2  }
0x8d: {  	s2 =	sadd.s32 s2, s17  }
0x8e: {  	[smem:$0x3FBD] =	sst s2  }
0x8f: {  	_ = 	snop  }
0x90: {  	s2 =	sld [smem:$0x3FC9]  }
0x91: {  	s18 =	sld [smem:$0x3FC8]  }
0x92: {  	s4 =	sld [smem:$0x3FC6]  }
0x93: {  	s5 =	sld [smem:$0x3FC5]  }
0x94: {  	s6 =	sld [smem:$0x3FC4]  }
0x95: {  	s7 =	sld [smem:$0x3FD0];
	(tm) =	ssettm $0x1  }
0x96: {  	s8 =	sld [smem:$0x3FFB];
	_ =	sdelay $0x3  }
0x97: {  	_ =	strace s8  }
0x98: {  	s8 =	sld [smem:$0x3FFC];
	_ =	sdelay $0x3  }
0x99: {  	_ =	strace s8  }
0x9a: {  	s8 =	sld [smem:$0x3FFD];
	_ =	sdelay $0x3  }
0x9b: {  	_ =	strace s8  }
0x9c: {  	_ =	strace $0x8FFFFFFF  }
0x9d: {  	s19 =	sld [smem:$0x3FDB];
	_ =	sdelay $0x1  }
0x9e: {  	s9 =	simm.s32 $_scs_section_size  }
0x9f: {  	s10 =	simm.s32 $_size__tile_overlayer_lowered;
	s11 =	simm.s32 $_tile_overlayer_lowered  }
0xa0: {  	s22 =	simm.s32 $0x1BFF;
	s21 =	sshll.u32 s11, $0x1;
	s8 =	sadd.s32 s9, s19  }
0xa1: {  	s12 =	simm.s32 $0x0;
	s20 =	sshll.u32 s10, $0x1;
	s10 =	sadd.s32 s21, s8  }
0xa2: {  	[timem:s12], [sflag:s22] =	dma.local [hbm:s10], s20  }
0xa3: {  	_ =	swait.ge [sflag:s22], s20  }
0xa4: {  	s9 =	ssub.s32 $0x0, s20;
	[sflag:s22] =	ssyncset.done $0x0  }
0xa5: {  	[sflag:s22] =	ssyncadd.s32 s9;
	_ =	sdelay $0x1  }
0xa6: {  	s23 =	simm.s32 $0x1B8B  }
0xa7: {  	_ =	swait.ge [sflag:s23], $0x1  }
0xa8: {  	[sflag:s23] =	ssyncset.done $0x0  }
0xa9: {  	s25 =	simm.s32 $0x1B8E;
	s24 =	sld [smem:$0x3FFE];
	[sflag:s23] =	ssyncadd.s32 $0xFFFFFFFF  }
0xaa: {  	s26 =	simm.s32 $execute0_lowered;
	[smem:$0x3FD2] =	sst s25  }
0xab: {  	s10 =	sshll.u32 s26, $0x1;
	_ =	strace $0x80000049;
	[dreg:$0x1] =	wrdreg $0xFFFFFFFF  }
0xac: {  	s28 =	simm.s32 $_size_execute0_lowered;
	s8 =	sadd.s32 s8, s10;
	[dreg:$0x0] =	wrdreg $0x0  }
0xad: {  	s10 =	sshll.u32 s28, $0x1;
	[dreg:$0x2] =	wrdreg s8  }
0xae: {  	[dreg:$0x3] =	wrdreg s10  }
0xaf: {  	[dreg:$0x4] =	wrdreg $0xC0  }
0xb0: {  	_ =	task [dreg:s12], $0x5FFFF  }
0xb1: {  	[dreg:$0x1] =	wrdreg $0xFFFFFFFF  }
0xb2: {  	[dreg:$0x0] =	wrdreg $0x60  }
0xb3: {  	[dreg:$0x2] =	wrdreg s2  }
0xb4: {  	[dreg:$0x3] =	wrdreg s18  }
0xb5: {  	[dreg:$0x4] =	wrdreg s4  }
0xb6: {  	[dreg:$0x5] =	wrdreg s5  }
0xb7: {  	[dreg:$0x6] =	wrdreg s6  }
0xb8: {  	[dreg:$0x7] =	wrdreg s24  }
0xb9: {  	[dreg:$0x8] =	wrdreg s7  }
0xba: {  	[dreg:$0x9] =	wrdreg $0x9  }
0xbb: {  	_ =	task.clear_ibuf [dreg:s12], $0xAFFFF;
	_ =	strace $0x90000049  }
0xbc: {  	s29 =	simm.s32 $0x9;
	_ =	strace $0x8000004B  }
0xbd: {  	_ =	swait.ge [sflag:s29], $0x1  }
0xbe: {  	[sflag:s29] =	ssyncadd.s32 $0xFFFFFFFF  }
0xbf: {  	_ =	strace $0x9000004B  }
0xc0: {  	_ =	sfence  }
0xc1: {  	s30 =	sld [smem:$0x0];
	_ =	sdelay $0x2  }
0xc2: {  	s31 =	sshll.u32 s1, $0xD;
	s1 =	sshrl.u32 s1, $0x2  }
0xc3: {  	s3 =	sand.u32 $0x4000, s31;
	s1 =	sadd.s32 s1, s30  }
0xc4: {  	s0 =	sor.u32 s3, s0;
	s1 =	sshll.u32 s1, $0x11  }
0xc5: {  	s0 =	sor.u32 s1, s0  }
0xc6: {  	s0 =	sadd.s32 $0x8F2B, s0  }
0xc7: {  	[sflag:s0] =	ssyncadd.remote.s32 $0x1  }
0xc8: {  	_ =	sfence.sel $0xFFFF  }
0xc9: {  	[dreg:$0x0] =	wrdreg $0xFFFFFFFF;
	(pc) =	sbr.abs _section_cstart, $3  }
0xca: {  	[dreg:$0x1] =	wrdreg $0xFFFFFFFF  }
0xcb: {  	_ =	task.clear_ibuf [dreg:s12], $0x2FFFF;
	_ =	strace $0x9FFFFFFF  }
0xcc: {  	(tm) =	ssettm $0x7FFFFFFF  }
0xcd: {  	_ =	shalt  }
tec
execute0_lowered:
.L_overlay_start_1:
0x0: {  	(tag) =	ssettag $0x1  }
0x1: {  	s0 =	rddreg [dreg:$0x0]  }
0x2: {  	s1 =	rddreg [dreg:$0x1]  }
0x3: {  	s9 =	rddreg [dreg:$0x2]  }
0x4: {  	s10 =	rddreg [dreg:$0x3]  }
0x5: {  	s11 =	rddreg [dreg:$0x4]  }
0x6: {  	s7 =	rddreg [dreg:$0x5]  }
0x7: {  	s13 =	rddreg [dreg:$0x6];
	s2 =	simm.s32 $0x0;
	s3 =	srdreg.scid  }
0x8: {  	s4 =	stileid.u32;
	s17 =	simm.s32 $0x100;
	s18 =	simm.s32 $0x180  }
0x9: {  	s19 =	simm.s32 $0x200;
	s21 =	simm.s32 $0xC400;
	s22 =	simm.s32 $0x14400  }
0xa: {  	s23 =	simm.s32 $0x280;
	s24 =	simm.s32 $0x300;
	s25 =	simm.s32 $0x1  }
0xb: {  	s26 =	simm.s32 $0x4300;
	s28 =	simm.s32 $0x4380;
	s29 =	simm.s32 $0x1C400  }
0xc: {  	s30 =	simm.s32 $0x0;
	[smem:$0x7FF] =	sst s2;
	s8 =	sand.u32 $0x1, s3  }
0xd: {  	s3 =	sadd.s32 $0x954600, s7;
	s6 =	sshll.u32 s4, $0x8;
	s4 =	sadd.s32 $0x951400, s7  }
0xe: {  	s5 =	sadd.s32 $0x643400, s7;
	_ =	strace $0x8000004A;
	s12 =	sshll.u32 s8, $0x7  }
0xf: {  	s8 =	ssub.s32 $0x2, s8;
	s12 =	sor.u32 s12, s6;
	s6 =	sadd.s32 $0x335400, s7  }
0x10: {  	s31 =	sshrl.u32 s8, $0x1;
	s14 =	sshll.u32 s12, $0x5;
	s15 =	sshrl.u32 s12, $0x3  }
0x11: {  	s16 =	ssub.s32 s8, s31;
	s14 =	sadd.s32 s14, s7;
	s7 =	sadd.s32 s0, s15  }
0x12: {  	s8 =	sadd.s32 s1, s15;
	s9 =	sadd.s32 s9, s15;
	s10 =	sadd.s32 s10, s15  }
0x13: {  	v0 =	vlaneseq.u32;
	s11 =	sadd.s32 s11, s15;
	s13 =	sadd.s32 s13, s15;
	s15 =	simm.s32 $0x2  }
0x14: {  	vm0 =	vmmov $0xff;
	v0 =	vmul.u32 $0x80, v0;
	s12 =	sadd.s32 $0x315400, s14;
	s14 =	smax.u32 s16, $0x1;
	s16 =	simm.s32 $0x80  }
.LBB2_1:
0x15: {  	[tilespmem:s2], [sflag:$0x2] =	stream.linear.gather [hbm4b:s7+s2], $0x80, $0x38;
	[tilespmem:$0x1C480] =	vst v63  }
0x16: {  	_ =	swait.ge [sflag:s15], $0x80  }
0x17: {  	[sflag:s15] =	ssyncset.done $0x0  }
0x18: {  	[sflag:s15] =	ssyncadd.s32 $0xFFFFFF80  }
0x19: {  	[tilespmem:s16], [sflag:$0x2] =	stream.linear.gather [hbm4b:s8+s2], $0x80, $0x38;
	[tilespmem:$0x1C480] =	vst v63  }
0x1a: {  	_ =	swait.ge [sflag:s15], $0x80  }
0x1b: {  	[sflag:s15] =	ssyncset.done $0x0  }
0x1c: {  	[sflag:s15] =	ssyncadd.s32 $0xFFFFFF80  }
0x1d: {  	[tilespmem:s17], [sflag:$0x2] =	stream.linear.gather [hbm4b:s9+s2], $0x80, $0x38;
	[tilespmem:$0x1C480] =	vst v63  }
0x1e: {  	_ =	swait.ge [sflag:s15], $0x80  }
0x1f: {  	[sflag:s15] =	ssyncset.done $0x0  }
0x20: {  	[sflag:s15] =	ssyncadd.s32 $0xFFFFFF80  }
0x21: {  	[tilespmem:s18], [sflag:$0x2] =	stream.linear.gather [hbm4b:s10+s2], $0x80, $0x38;
	[tilespmem:$0x1C480] =	vst v63  }
0x22: {  	_ =	swait.ge [sflag:s15], $0x80  }
0x23: {  	[sflag:s15] =	ssyncset.done $0x0  }
0x24: {  	[sflag:s15] =	ssyncadd.s32 $0xFFFFFF80  }
0x25: {  	[tilespmem:s19], [sflag:$0x2] =	stream.linear.gather [hbm4b:s11+s2], $0x80, $0x38;
	[tilespmem:$0x1C480] =	vst v63  }
0x26: {  	_ =	swait.ge [sflag:s15], $0x80  }
0x27: {  	[sflag:s15] =	ssyncset.done $0x0  }
0x28: {  	s0 =	simm.s32 $0x4400;
	[sflag:s15] =	ssyncadd.s32 $0xFFFFFF80  }
0x29: {  	[tilespmem:s0], [sflag:$0x1] =	stream.indirect.gather [hbm4b:s5+s16], $0x100, s2, s16, $0xb8;
	[tilespmem:$0x1C480] =	vst v63  }
0x2a: {  	_ = 	snop  }
0x2b: {  	[tilespmem:s21], [sflag:$0x1] =	stream.indirect.gather [hbm4b:s6+s16], $0x100, s16, s16, $0xb8;
	[tilespmem:$0x1C480] =	vst v63  }
0x2c: {  	_ = 	snop  }
0x2d: {  	[tilespmem:s22], [sflag:$0x1] =	stream.linear.gather [hbm4b:s12+s2], $0x8000, $0x38;
	[tilespmem:$0x1C480] =	vst v63  }
0x2e: {  	v1 =	vld [tilespmem:$0x0]  }
0x2f: {  	v2 =	vld [tilespmem:$0x10]  }
0x30: {  	v3 =	vld [tilespmem:$0x20]  }
0x31: {  	v4 =	vld [tilespmem:$0x30]  }
0x32: {  	v5 =	vld [tilespmem:$0x40]  }
0x33: {  	v6 =	vld [tilespmem:$0x50];
	v1 =	vshrl.u32 v1, $0x7  }
0x34: {  	[tilespmem:$0x280] =	vst v1;
	v1 =	vshrl.u32 v2, $0x7;
	v2 =	vld [tilespmem:$0x60]  }
0x35: {  	[tilespmem:$0x290] =	vst v1;
	v1 =	vshrl.u32 v3, $0x7;
	v3 =	vld [tilespmem:$0x70]  }
0x36: {  	[tilespmem:$0x2A0] =	vst v1;
	v1 =	vshrl.u32 v4, $0x7  }
0x37: {  	[tilespmem:$0x2B0] =	vst v1;
	v1 =	vshrl.u32 v5, $0x7  }
0x38: {  	[tilespmem:$0x2C0] =	vst v1;
	v1 =	vshrl.u32 v6, $0x7  }
0x39: {  	[tilespmem:$0x2D0] =	vst v1;
	v1 =	vshrl.u32 v2, $0x7  }
0x3a: {  	[tilespmem:$0x2E0] =	vst v1;
	v1 =	vshrl.u32 v3, $0x7  }
0x3b: {  	[tilespmem:$0x2F0] =	vst v1  }
0x3c: {  	[tilespmem:s24], [sflag:$0x1] =	stream.indirect.gather [hbm4b:s3+s16], $0x80, s23, s16, $0xb8;
	[tilespmem:$0x1C480] =	vst v63  }
0x3d: {  	_ =	swait.ge [sflag:s25], $0x4000  }
0x3e: {  	[sflag:s25] =	ssyncset.done $0x0  }
0x3f: {  	[sflag:s25] =	ssyncadd.s32 $0xFFFFC000  }
0x40: {  	v1 =	vld [tilespmem:s2+$0x0];
	_ =	sdelay $0x2  }
0x41: {  	v2 =	vmov s2  }
0x42: {  	v2 =	vshll.u32 v2, $0x7  }
0x43: {  	v2 =	vor.u32 v0, v2;
	v1 =	vand.u32 $0x7F, v1  }
0x44: {  	v1 =	vor.u32 v2, v1;
	_ =	sdelay $0x4  }
0x45: {  	v1 =	vld.idx.msk [tilespmem:v1+s24+$0x0], $0xffff;
	_ =	sdelay $0x4  }
0x46: {  	s1 =	simm.s32 $0x10;
	[tilespmem:s26+$0x0] =	vst v1  }
0x47: {  	s20 =	simm.s32 $0x20;
	s31 =	simm.s32 $0x10;
	s0 =	simm.s32 $0x4300;
	v1 =	vld [tilespmem:s1+$0x0]  }
.LBB2_2:
0x48: {  	p0 =	sne.s32 s20, $0x70;
	_ =	sdelay $0x1  }
0x49: {  	v2 =	vmov s1;
	s1 =	smov.u32 s20  }
0x4a: {  	v2 =	vshll.u32 v2, $0x7  }
0x4b: {  	v2 =	vor.u32 v0, v2;
	v1 =	vand.u32 $0x7F, v1  }
0x4c: {  	v1 =	vor.u32 v2, v1;
	_ =	sdelay $0x4  }
0x4d: {  	v1 =	vld.idx.msk [tilespmem:v1+s24+$0x0], $0xffff;
	_ =	sdelay $0x2  }
.Ltmp0:
0x4e: {  	(pc) =	sbr.rel @p0 .LBB2_2-.Ltmp0, $4  }
0x4f: {  	_ = 	snop  }
0x50: {  	s0 =	sadd.s32 $0x10, s0  }
0x51: {  	s31 =	sadd.s32 $0x10, s31;
	[tilespmem:s0+$0x0] =	vst v1  }
0x52: {  	s20 =	sadd.s32 $0x10, s20;
	v1 =	vld [tilespmem:s31+$0x0]  }
0x53: {  	_ =	sdelay $0x1  }
0x54: {  	v2 =	vmov s1  }
0x55: {  	v2 =	vshll.u32 v2, $0x7  }
0x56: {  	v2 =	vor.u32 v0, v2;
	v1 =	vand.u32 $0x7F, v1  }
0x57: {  	v1 =	vor.u32 v2, v1;
	_ =	sdelay $0x4  }
0x58: {  	v1 =	vld.idx.msk [tilespmem:v1+s24+$0x0], $0xffff;
	_ =	sdelay $0x3  }
0x59: {  	s0 =	sadd.s32 $0x10, s0  }
0x5a: {  	[tilespmem:s0+$0x0] =	vst v1  }
0x5b: {  	v1 =	vld [tilespmem:$0x80]  }
0x5c: {  	v2 =	vld [tilespmem:$0x90]  }
0x5d: {  	v3 =	vld [tilespmem:$0xA0]  }
0x5e: {  	v4 =	vld [tilespmem:$0xB0]  }
0x5f: {  	v5 =	vld [tilespmem:$0xC0]  }
0x60: {  	v6 =	vld [tilespmem:$0xD0];
	v1 =	vshrl.u32 v1, $0x7  }
0x61: {  	[tilespmem:$0x280] =	vst v1;
	v1 =	vshrl.u32 v2, $0x7;
	v2 =	vld [tilespmem:$0xE0]  }
0x62: {  	[tilespmem:$0x290] =	vst v1;
	v1 =	vshrl.u32 v3, $0x7;
	v3 =	vld [tilespmem:$0xF0]  }
0x63: {  	[tilespmem:$0x2A0] =	vst v1;
	v1 =	vshrl.u32 v4, $0x7  }
0x64: {  	[tilespmem:$0x2B0] =	vst v1;
	v1 =	vshrl.u32 v5, $0x7  }
0x65: {  	[tilespmem:$0x2C0] =	vst v1;
	v1 =	vshrl.u32 v6, $0x7  }
0x66: {  	[tilespmem:$0x2D0] =	vst v1;
	v1 =	vshrl.u32 v2, $0x7  }
0x67: {  	[tilespmem:$0x2E0] =	vst v1;
	v1 =	vshrl.u32 v3, $0x7  }
0x68: {  	s1 =	simm.s32 $0x80;
	[tilespmem:$0x2F0] =	vst v1  }
0x69: {  	[tilespmem:s24], [sflag:$0x1] =	stream.indirect.gather [hbm4b:s4+s1], $0x80, s23, s1, $0xb8;
	[tilespmem:$0x1C480] =	vst v63  }
0x6a: {  	_ =	swait.ge [sflag:s25], $0x4000  }
0x6b: {  	[sflag:s25] =	ssyncset.done $0x0  }
0x6c: {  	[sflag:s25] =	ssyncadd.s32 $0xFFFFC000  }
0x6d: {  	v1 =	vld [tilespmem:s1+$0x0];
	_ =	sdelay $0x1  }
0x6e: {  	s20 =	simm.s32 $0x0  }
0x6f: {  	v2 =	vmov s20  }
0x70: {  	v2 =	vshll.u32 v2, $0x7  }
0x71: {  	v2 =	vor.u32 v0, v2;
	v1 =	vand.u32 $0x7F, v1  }
0x72: {  	v1 =	vor.u32 v2, v1;
	_ =	sdelay $0x4  }
0x73: {  	v1 =	vld.idx.msk [tilespmem:v1+s24+$0x0], $0xffff;
	_ =	sdelay $0x3  }
0x74: {  	s0 =	simm.s32 $0x4380  }
0x75: {  	s1 =	simm.s32 $0x90;
	[tilespmem:s0+$0x0] =	vst v1  }
0x76: {  	s31 =	simm.s32 $0x20;
	s20 =	simm.s32 $0x10;
	v1 =	vld [tilespmem:s1+$0x0]  }
.LBB2_4:
0x77: {  	p0 =	sne.s32 s31, $0x70;
	_ =	sdelay $0x1  }
0x78: {  	v2 =	vmov s20;
	s20 =	smov.u32 s31  }
0x79: {  	v2 =	vshll.u32 v2, $0x7  }
0x7a: {  	v2 =	vor.u32 v0, v2;
	v1 =	vand.u32 $0x7F, v1  }
0x7b: {  	v1 =	vor.u32 v2, v1;
	_ =	sdelay $0x4  }
0x7c: {  	v1 =	vld.idx.msk [tilespmem:v1+s24+$0x0], $0xffff;
	_ =	sdelay $0x2  }
.Ltmp1:
0x7d: {  	(pc) =	sbr.rel @p0 .LBB2_4-.Ltmp1, $4  }
0x7e: {  	_ = 	snop  }
0x7f: {  	s0 =	sadd.s32 $0x10, s0  }
0x80: {  	s1 =	sadd.s32 $0x10, s1;
	[tilespmem:s0+$0x0] =	vst v1  }
0x81: {  	s31 =	sadd.s32 $0x10, s31;
	v1 =	vld [tilespmem:s1+$0x0]  }
0x82: {  	_ =	sdelay $0x1  }
0x83: {  	v2 =	vmov s20  }
0x84: {  	v2 =	vshll.u32 v2, $0x7  }
0x85: {  	v2 =	vor.u32 v0, v2;
	v1 =	vand.u32 $0x7F, v1  }
0x86: {  	v1 =	vor.u32 v2, v1;
	_ =	sdelay $0x4  }
0x87: {  	v1 =	vld.idx.msk [tilespmem:v1+s24+$0x0], $0xffff;
	_ =	sdelay $0x3  }
0x88: {  	s0 =	sadd.s32 $0x10, s0  }
0x89: {  	[tilespmem:s0+$0x0] =	vst v1  }
0x8a: {  	_ =	swait.ge [sflag:s25], $0x8000  }
0x8b: {  	[sflag:s25] =	ssyncset.done $0x0  }
0x8c: {  	[sflag:s25] =	ssyncadd.s32 $0xFFFF8000  }
0x8d: {  	_ =	swait.ge [sflag:s25], $0x8000  }
0x8e: {  	s20 =	simm.s32 $0x0;
	[sflag:s25] =	ssyncset.done $0x0  }
0x8f: {  	v1 =	vmov s20;
	[sflag:s25] =	ssyncadd.s32 $0xFFFF8000  }
0x90: {  	_ =	swait.ge [sflag:s25], $0x8000  }
0x91: {  	[sflag:s25] =	ssyncset.done $0x0  }
0x92: {  	s1 =	simm.s32 $0xC460;
	[sflag:s25] =	ssyncadd.s32 $0xFFFF8000  }
0x93: {  	v2 =	vld [tilespmem:s1+$0x30]  }
0x94: {  	s31 =	simm.s32 $0x4460;
	v3 =	vld.idx.msk [tilespmem:v1+s17+$0x0], $0xffff  }
0x95: {  	v4 =	vld [tilespmem:s31+$0x50]  }
0x96: {  	v5 =	vld [tilespmem:s31+$0x40]  }
0x97: {  	v6 =	vld [tilespmem:s31+$0x30]  }
0x98: {  	v7 =	vld [tilespmem:s31+$0x20]  }
0x99: {  	v8 =	vld [tilespmem:s31+$0x10]  }
0x9a: {  	v9 =	vld [tilespmem:s31+$0x0];
	(erf) = vrcp.f32 v3  }
0x9b: {  	v10 =	vld [tilespmem:s31+$0xFFFFFFE0]  }
0x9c: {  	v11 =	vld [tilespmem:s31+$0xFFFFFFD0]  }
0x9d: {  	v12 =	vld.idx.msk [tilespmem:v1+s18+$0x0], $0xffff  }
0x9e: {  	v13 =	vld [tilespmem:s1+$0xFFFFFFA0]  }
0x9f: {  	s0 =	simm.s32 $0x14460;
	v14 =	vld [tilespmem:s31+$0xFFFFFFA0]  }
0xa0: {  	v15 =	vld [tilespmem:s0+$0xFFFFFFA0]  }
0xa1: {  	v16 =	vld [tilespmem:s31+$0xFFFFFFB0]  }
0xa2: {  	v17 =	vld [tilespmem:s0+$0xFFFFFFB0]  }
0xa3: {  	v19 =	vld [tilespmem:s31+$0xFFFFFFC0];
	v18 =	vpop (erf)  }
0xa4: {  	v20 =	vld [tilespmem:s0+$0xFFFFFFC0];
	v18 =	vmul.f32 v18, v12  }
0xa5: {  	v21 =	vld [tilespmem:s0+$0xFFFFFFD0]  }
0xa6: {  	v22 =	vld [tilespmem:s1+$0xFFFFFFB0];
	v14 =	vmul.f32 v14, v12;
	v15 =	vmul.f32 v15, v18  }
0xa7: {  	v41 =	vld [tilespmem:s0+$0xFFFFFFE0]  }
0xa8: {  	v23 =	vld [tilespmem:s1+$0xFFFFFFC0];
	v39 =	vmul.f32 v16, v12;
	v40 =	vmul.f32 v17, v18;
	v14 =	vadd.f32 v15, v14  }
0xa9: {  	v44 =	vld [tilespmem:s0+$0xFFFFFFF0];
	v19 =	vmul.f32 v19, v12  }
0xaa: {  	v3 =	vld [tilespmem:s31+$0xFFFFFFF0];
	v43 =	vmul.f32 v20, v18;
	v42 =	vadd.f32 v40, v39;
	v13 =	vmul.f32 v14, v13  }
0xab: {  	v45 =	vld [tilespmem:s1+$0xFFFFFFD0];
	v11 =	vmul.f32 v11, v12;
	v21 =	vmul.f32 v21, v18  }
0xac: {  	v46 =	vld [tilespmem:s0+$0x0];
	v15 =	vadd.f32 v43, v19;
	v14 =	vmul.f32 v42, v22;
	v13 =	vadd.f32 $0.0e+00, v13  }
0xad: {  	v47 =	vld [tilespmem:s1+$0xFFFFFFE0];
	v10 =	vmul.f32 v10, v12;
	v17 =	vmul.f32 v41, v18  }
0xae: {  	v49 =	vld [tilespmem:s0+$0x10];
	v11 =	vadd.f32 v21, v11;
	v48 =	vmul.f32 v15, v23;
	v13 =	vadd.f32 v14, v13  }
0xaf: {  	v50 =	vld [tilespmem:s1+$0xFFFFFFF0];
	v3 =	vmul.f32 v3, v12;
	v16 =	vmul.f32 v44, v18  }
0xb0: {  	v51 =	vld [tilespmem:s0+$0x20];
	v10 =	vadd.f32 v17, v10;
	v11 =	vmul.f32 v11, v45;
	v13 =	vadd.f32 v48, v13  }
0xb1: {  	v52 =	vld [tilespmem:s1+$0x0];
	v9 =	vmul.f32 v9, v12;
	v19 =	vmul.f32 v46, v18  }
0xb2: {  	v53 =	vld [tilespmem:s0+$0x30];
	v3 =	vadd.f32 v16, v3;
	v10 =	vmul.f32 v10, v47;
	v11 =	vadd.f32 v11, v13  }
0xb3: {  	v54 =	vld [tilespmem:s1+$0x10];
	v8 =	vmul.f32 v8, v12;
	v15 =	vmul.f32 v49, v18  }
0xb4: {  	v56 =	vld [tilespmem:s1+$0x20];
	v3 =	vmul.f32 v3, v50;
	v9 =	vadd.f32 v19, v9;
	v10 =	vadd.f32 v10, v11  }
0xb5: {  	v55 =	vld [tilespmem:s0+$0x40];
	v7 =	vmul.f32 v7, v12;
	v14 =	vmul.f32 v51, v18  }
0xb6: {  	v57 =	vld [tilespmem:s0+$0x50];
	v9 =	vmul.f32 v9, v52;
	v8 =	vadd.f32 v15, v8;
	v3 =	vadd.f32 v3, v10  }
0xb7: {  	v58 =	vld [tilespmem:s31+$0x60];
	v6 =	vmul.f32 v6, v12;
	v7 =	vadd.f32 v14, v7  }
0xb8: {  	v59 =	vld [tilespmem:s0+$0x60];
	v8 =	vmul.f32 v8, v54;
	v13 =	vmul.f32 v53, v18;
	v3 =	vadd.f32 v9, v3  }
0xb9: {  	v60 =	vld [tilespmem:s1+$0x40];
	v5 =	vmul.f32 v5, v12;
	v7 =	vmul.f32 v7, v56  }
0xba: {  	v11 =	vmul.f32 v55, v18;
	v6 =	vadd.f32 v13, v6;
	v3 =	vadd.f32 v8, v3  }
0xbb: {  	v61 =	vld [tilespmem:s1+$0x50];
	v4 =	vmul.f32 v4, v12;
	v10 =	vmul.f32 v57, v18  }
0xbc: {  	v62 =	vld [tilespmem:s1+$0x60];
	v2 =	vmul.f32 v6, v2;
	v5 =	vadd.f32 v11, v5;
	v3 =	vadd.f32 v7, v3  }
0xbd: {  	v63 =	vmul.f32 v58, v12;
	v9 =	vmul.f32 v59, v18  }
0xbe: {  	v4 =	vadd.f32 v10, v4;
	v2 =	vadd.f32 v2, v3;
	v3 =	vmul.f32 v5, v60  }
0xbf: {  	v5 =	vadd.f32 v9, v63  }
0xc0: {  	v2 =	vadd.f32 v3, v2;
	v3 =	vmul.f32 v4, v61  }
0xc1: {  	v4 =	vmul.f32 v5, v62  }
0xc2: {  	v2 =	vadd.f32 v3, v2  }
0xc3: {  	v3 =	vnsel vm0, $0x0, v4  }
0xc4: {  	v2 =	vadd.f32 v3, v2;
	_ =	sdelay $0x1  }
0xc5: {  	(xrf2) =	vadd.scan.msk.f32 $0xffff, v2;
	_ =	sdelay $0x6  }
0xc6: {  	v3 =	vld.idx.msk [tilespmem:v1+s19+$0x0], $0xffff  }
0xc7: {  	v2 =	vld.idx.msk [tilespmem:v1+s28+$0x0], $0xffff;
	_ =	sdelay $0x1  }
0xc8: {  	v4 =	vld.idx.msk [tilespmem:v1+s26+$0x0], $0xffff;
	v5, _, _ =	vpop (xrf2)  }
0xc9: {  	v5 =	vbroadcast v5, $0xF;
	_ =	sdelay $0x1  }
0xca: {  	v2 =	vmul.f32 v2, v3;
	v5 =	vmul.f32 v5, v3;
	_ =	sdelay $0x1  }
0xcb: {  	v3 =	vmul.f32 v4, v12;
	v2 =	vadd.f32 v5, v2;
	_ =	sdelay $0x1  }
0xcc: {  	s20 =	simm.s32 $0x1;
	v3 =	vadd.f32 v2, v3  }
0xcd: {  	v2 =	vmov s20;
	s20 =	simm.s32 $0x2  }
.LBB2_6:
0xce: {  	p0 =	sne.s32 s20, $0x7F;
	v3 =	vadd.f32 $3.500000000e+00, v3;
	_ =	sdelay $0x1  }
0xcf: {  	s1 =	sadd.s32 $0x100, s1;
	[tilespmem:v1+s29+$0x0] =	vst.idx.msk $0x1, v3;
	v1 =	vmov v2  }
0xd0: {  	v3 =	vld [tilespmem:s1+$0x30]  }
0xd1: {  	s31 =	sadd.s32 $0x100, s31;
	v2 =	vld.idx.msk [tilespmem:v2+s17+$0x0], $0xffff  }
0xd2: {  	v4 =	vld [tilespmem:s31+$0x50]  }
0xd3: {  	v5 =	vld [tilespmem:s31+$0x40]  }
0xd4: {  	v6 =	vld [tilespmem:s31+$0x30]  }
0xd5: {  	v7 =	vld [tilespmem:s31+$0x20]  }
0xd6: {  	v8 =	vld [tilespmem:s31+$0x10]  }
0xd7: {  	v9 =	vld [tilespmem:s31+$0x0];
	(erf) = vrcp.f32 v2  }
0xd8: {  	v10 =	vld [tilespmem:s31+$0xFFFFFFF0]  }
0xd9: {  	v11 =	vld [tilespmem:s31+$0xFFFFFFE0]  }
0xda: {  	v12 =	vld [tilespmem:s31+$0xFFFFFFD0]  }
0xdb: {  	v2 =	vld.idx.msk [tilespmem:v1+s18+$0x0], $0xffff  }
0xdc: {  	v13 =	vld [tilespmem:s1+$0xFFFFFFA0]  }
0xdd: {  	s0 =	sadd.s32 $0x100, s0;
	v14 =	vld [tilespmem:s31+$0xFFFFFFA0]  }
0xde: {  	v15 =	vld [tilespmem:s0+$0xFFFFFFA0]  }
0xdf: {  	v16 =	vld [tilespmem:s31+$0xFFFFFFB0]  }
0xe0: {  	v17 =	vld [tilespmem:s0+$0xFFFFFFB0];
	v18 =	vpop (erf)  }
0xe1: {  	v18 =	vmul.f32 v18, v2;
	v19 =	vld [tilespmem:s31+$0xFFFFFFC0]  }
0xe2: {  	v20 =	vld [tilespmem:s0+$0xFFFFFFC0]  }
0xe3: {  	v14 =	vmul.f32 v14, v2;
	v15 =	vmul.f32 v15, v18;
	v21 =	vld [tilespmem:s0+$0xFFFFFFD0]  }
0xe4: {  	v22 =	vld [tilespmem:s1+$0xFFFFFFB0]  }
0xe5: {  	v14 =	vadd.f32 v15, v14;
	v15 =	vmul.f32 v16, v2;
	v16 =	vmul.f32 v17, v18;
	v17 =	vld [tilespmem:s0+$0xFFFFFFE0]  }
0xe6: {  	v23 =	vld [tilespmem:s1+$0xFFFFFFC0];
	v19 =	vmul.f32 v19, v2  }
0xe7: {  	v13 =	vmul.f32 v14, v13;
	v14 =	vadd.f32 v16, v15;
	v15 =	vmul.f32 v20, v18;
	v16 =	vld [tilespmem:s0+$0xFFFFFFF0]  }
0xe8: {  	v12 =	vmul.f32 v12, v2;
	v20 =	vld [tilespmem:s1+$0xFFFFFFD0];
	v21 =	vmul.f32 v21, v18  }
0xe9: {  	v13 =	vadd.f32 $0.0e+00, v13;
	v14 =	vmul.f32 v14, v22;
	v15 =	vadd.f32 v15, v19;
	v19 =	vld [tilespmem:s0+$0x0]  }
0xea: {  	v11 =	vmul.f32 v11, v2;
	v22 =	vld [tilespmem:s1+$0xFFFFFFE0];
	v17 =	vmul.f32 v17, v18  }
0xeb: {  	v12 =	vadd.f32 v21, v12;
	v13 =	vadd.f32 v14, v13;
	v14 =	vmul.f32 v15, v23;
	v15 =	vld [tilespmem:s0+$0x10]  }
0xec: {  	v10 =	vmul.f32 v10, v2;
	v21 =	vld [tilespmem:s1+$0xFFFFFFF0];
	v16 =	vmul.f32 v16, v18  }
0xed: {  	v11 =	vadd.f32 v17, v11;
	v13 =	vadd.f32 v14, v13;
	v12 =	vmul.f32 v12, v20;
	v14 =	vld [tilespmem:s0+$0x20]  }
0xee: {  	v9 =	vmul.f32 v9, v2;
	v17 =	vld [tilespmem:s1+$0x0];
	v19 =	vmul.f32 v19, v18  }
0xef: {  	v10 =	vadd.f32 v16, v10;
	v12 =	vadd.f32 v12, v13;
	v11 =	vmul.f32 v11, v22;
	v13 =	vld [tilespmem:s0+$0x30]  }
0xf0: {  	v8 =	vmul.f32 v8, v2;
	v16 =	vld [tilespmem:s1+$0x10];
	v15 =	vmul.f32 v15, v18  }
0xf1: {  	v9 =	vadd.f32 v19, v9;
	v11 =	vadd.f32 v11, v12;
	v10 =	vmul.f32 v10, v21;
	v12 =	vld [tilespmem:s0+$0x40]  }
0xf2: {  	v7 =	vmul.f32 v7, v2;
	v19 =	vld [tilespmem:s1+$0x20];
	v14 =	vmul.f32 v14, v18  }
0xf3: {  	v8 =	vadd.f32 v15, v8;
	v10 =	vadd.f32 v10, v11;
	v9 =	vmul.f32 v9, v17;
	v11 =	vld [tilespmem:s0+$0x50]  }
0xf4: {  	v6 =	vmul.f32 v6, v2;
	v13 =	vmul.f32 v13, v18;
	v15 =	vld [tilespmem:s31+$0x60]  }
0xf5: {  	v7 =	vadd.f32 v14, v7;
	v9 =	vadd.f32 v9, v10;
	v8 =	vmul.f32 v8, v16;
	v10 =	vld [tilespmem:s0+$0x60]  }
0xf6: {  	v5 =	vmul.f32 v5, v2;
	v14 =	vld [tilespmem:s1+$0x40];
	v12 =	vmul.f32 v12, v18  }
0xf7: {  	v6 =	vadd.f32 v13, v6;
	v8 =	vadd.f32 v8, v9;
	v7 =	vmul.f32 v7, v19  }
0xf8: {  	v4 =	vmul.f32 v4, v2;
	v9 =	vld [tilespmem:s1+$0x50];
	v11 =	vmul.f32 v11, v18  }
0xf9: {  	v3 =	vmul.f32 v6, v3;
	v5 =	vadd.f32 v12, v5;
	v7 =	vadd.f32 v7, v8;
	v6 =	vld [tilespmem:s1+$0x60]  }
0xfa: {  	v8 =	vmul.f32 v15, v2;
	v10 =	vmul.f32 v10, v18  }
0xfb: {  	v4 =	vadd.f32 v11, v4;
	v3 =	vadd.f32 v3, v7;
	v5 =	vmul.f32 v5, v14  }
0xfc: {  	v7 =	vadd.f32 v10, v8  }
0xfd: {  	v3 =	vadd.f32 v5, v3;
	v4 =	vmul.f32 v4, v9  }
0xfe: {  	v5 =	vmul.f32 v7, v6  }
0xff: {  	v3 =	vadd.f32 v4, v3  }
0x100: {  	v4 =	vnsel vm0, $0x0, v5  }
0x101: {  	v3 =	vadd.f32 v4, v3;
	_ =	sdelay $0x1  }
0x102: {  	(xrf2) =	vadd.scan.msk.f32 $0xffff, v3;
	_ =	sdelay $0x5  }
0x103: {  	v3 =	vld.idx.msk [tilespmem:v1+s28+$0x0], $0xffff  }
0x104: {  	v4 =	vld.idx.msk [tilespmem:v1+s19+$0x0], $0xffff;
	_ =	sdelay $0x1  }
0x105: {  	v5 =	vld.idx.msk [tilespmem:v1+s26+$0x0], $0xffff  }
0x106: {  	v6, _, _ =	vpop (xrf2)  }
0x107: {  	v6 =	vbroadcast v6, $0xF;
	_ =	sdelay $0x1  }
0x108: {  	v3 =	vmul.f32 v3, v4;
	v6 =	vmul.f32 v6, v4  }
.Ltmp2:
0x109: {  	(pc) =	sbr.rel @p0 .LBB2_6-.Ltmp2, $3  }
0x10a: {  	v2 =	vmul.f32 v5, v2;
	v3 =	vadd.f32 v6, v3;
	_ =	sdelay $0x1  }
0x10b: {  	v3 =	vadd.f32 v3, v2  }
0x10c: {  	v2 =	vmov s20;
	s20 =	sadd.s32 $0x1, s20  }
0x10d: {  	_ =	sdelay $0x1  }
0x10e: {  	v3 =	vadd.f32 $3.500000000e+00, v3;
	_ =	sdelay $0x1  }
0x10f: {  	s1 =	sadd.s32 $0x100, s1;
	[tilespmem:v1+s29+$0x0] =	vst.idx.msk $0x1, v3  }
0x110: {  	v1 =	vld [tilespmem:s1+$0x30]  }
0x111: {  	s20 =	sadd.s32 $0x100, s31;
	v3 =	vld.idx.msk [tilespmem:v2+s17+$0x0], $0xffff  }
0x112: {  	v4 =	vld [tilespmem:s20+$0x50]  }
0x113: {  	v5 =	vld [tilespmem:s20+$0x40]  }
0x114: {  	v6 =	vld [tilespmem:s20+$0x30]  }
0x115: {  	v7 =	vld [tilespmem:s20+$0x20]  }
0x116: {  	v8 =	vld [tilespmem:s20+$0x10]  }
0x117: {  	v9 =	vld [tilespmem:s20+$0x0];
	(erf) = vrcp.f32 v3  }
0x118: {  	v10 =	vld [tilespmem:s20+$0xFFFFFFE0]  }
0x119: {  	v11 =	vld [tilespmem:s20+$0xFFFFFFD0]  }
0x11a: {  	v12 =	vld.idx.msk [tilespmem:v2+s18+$0x0], $0xffff  }
0x11b: {  	v13 =	vld [tilespmem:s1+$0xFFFFFFA0]  }
0x11c: {  	s0 =	sadd.s32 $0x100, s0;
	v14 =	vld [tilespmem:s20+$0xFFFFFFA0]  }
0x11d: {  	v15 =	vld [tilespmem:s0+$0xFFFFFFA0]  }
0x11e: {  	v16 =	vld [tilespmem:s20+$0xFFFFFFB0]  }
0x11f: {  	v17 =	vld [tilespmem:s0+$0xFFFFFFB0]  }
0x120: {  	v19 =	vld [tilespmem:s20+$0xFFFFFFC0];
	v18 =	vpop (erf)  }
0x121: {  	v20 =	vld [tilespmem:s0+$0xFFFFFFC0];
	v18 =	vmul.f32 v18, v12  }
0x122: {  	v21 =	vld [tilespmem:s0+$0xFFFFFFD0]  }
0x123: {  	v22 =	vld [tilespmem:s1+$0xFFFFFFB0];
	v14 =	vmul.f32 v14, v12;
	v15 =	vmul.f32 v15, v18  }
0x124: {  	v37 =	vld [tilespmem:s0+$0xFFFFFFE0]  }
0x125: {  	v23 =	vld [tilespmem:s1+$0xFFFFFFC0];
	v35 =	vmul.f32 v16, v12;
	v36 =	vmul.f32 v17, v18;
	v14 =	vadd.f32 v15, v14  }
0x126: {  	v40 =	vld [tilespmem:s0+$0xFFFFFFF0];
	v19 =	vmul.f32 v19, v12  }
0x127: {  	v3 =	vld [tilespmem:s20+$0xFFFFFFF0];
	v39 =	vmul.f32 v20, v18;
	v38 =	vadd.f32 v36, v35;
	v13 =	vmul.f32 v14, v13  }
0x128: {  	v41 =	vld [tilespmem:s1+$0xFFFFFFD0];
	v11 =	vmul.f32 v11, v12;
	v21 =	vmul.f32 v21, v18  }
0x129: {  	v42 =	vld [tilespmem:s0+$0x0];
	v15 =	vadd.f32 v39, v19;
	v14 =	vmul.f32 v38, v22;
	v13 =	vadd.f32 $0.0e+00, v13  }
0x12a: {  	v43 =	vld [tilespmem:s1+$0xFFFFFFE0];
	v10 =	vmul.f32 v10, v12;
	v17 =	vmul.f32 v37, v18  }
0x12b: {  	v45 =	vld [tilespmem:s0+$0x10];
	v11 =	vadd.f32 v21, v11;
	v44 =	vmul.f32 v15, v23;
	v13 =	vadd.f32 v14, v13  }
0x12c: {  	v46 =	vld [tilespmem:s1+$0xFFFFFFF0];
	v3 =	vmul.f32 v3, v12;
	v16 =	vmul.f32 v40, v18  }
0x12d: {  	v47 =	vld [tilespmem:s0+$0x20];
	v10 =	vadd.f32 v17, v10;
	v11 =	vmul.f32 v11, v41;
	v13 =	vadd.f32 v44, v13  }
0x12e: {  	v48 =	vld [tilespmem:s1+$0x0];
	v9 =	vmul.f32 v9, v12;
	v19 =	vmul.f32 v42, v18  }
0x12f: {  	v49 =	vld [tilespmem:s0+$0x30];
	v3 =	vadd.f32 v16, v3;
	v10 =	vmul.f32 v10, v43;
	v11 =	vadd.f32 v11, v13  }
0x130: {  	v50 =	vld [tilespmem:s1+$0x10];
	v8 =	vmul.f32 v8, v12;
	v15 =	vmul.f32 v45, v18  }
0x131: {  	v52 =	vld [tilespmem:s1+$0x20];
	v3 =	vmul.f32 v3, v46;
	v9 =	vadd.f32 v19, v9;
	v10 =	vadd.f32 v10, v11  }
0x132: {  	v51 =	vld [tilespmem:s0+$0x40];
	v7 =	vmul.f32 v7, v12;
	v14 =	vmul.f32 v47, v18  }
0x133: {  	v53 =	vld [tilespmem:s0+$0x50];
	v9 =	vmul.f32 v9, v48;
	v8 =	vadd.f32 v15, v8;
	v3 =	vadd.f32 v3, v10  }
0x134: {  	v54 =	vld [tilespmem:s20+$0x60];
	v6 =	vmul.f32 v6, v12;
	v7 =	vadd.f32 v14, v7  }
0x135: {  	v55 =	vld [tilespmem:s0+$0x60];
	v8 =	vmul.f32 v8, v50;
	v13 =	vmul.f32 v49, v18;
	v3 =	vadd.f32 v9, v3  }
0x136: {  	v56 =	vld [tilespmem:s1+$0x40];
	v5 =	vmul.f32 v5, v12;
	v7 =	vmul.f32 v7, v52  }
0x137: {  	v11 =	vmul.f32 v51, v18;
	v6 =	vadd.f32 v13, v6;
	v3 =	vadd.f32 v8, v3  }
0x138: {  	v57 =	vld [tilespmem:s1+$0x50];
	v4 =	vmul.f32 v4, v12;
	v10 =	vmul.f32 v53, v18  }
0x139: {  	v58 =	vld [tilespmem:s1+$0x60];
	v1 =	vmul.f32 v6, v1;
	v5 =	vadd.f32 v11, v5;
	v3 =	vadd.f32 v7, v3  }
0x13a: {  	v59 =	vmul.f32 v54, v12;
	v9 =	vmul.f32 v55, v18  }
0x13b: {  	v4 =	vadd.f32 v10, v4;
	v1 =	vadd.f32 v1, v3;
	v3 =	vmul.f32 v5, v56  }
0x13c: {  	v60 =	vadd.f32 v9, v59  }
0x13d: {  	v1 =	vadd.f32 v3, v1;
	v3 =	vmul.f32 v4, v57  }
0x13e: {  	v61 =	vmul.f32 v60, v58  }
0x13f: {  	v1 =	vadd.f32 v3, v1  }
0x140: {  	v3 =	vnsel vm0, $0x0, v61  }
0x141: {  	v1 =	vadd.f32 v3, v1;
	_ =	sdelay $0x1  }
0x142: {  	(xrf2) =	vadd.scan.msk.f32 $0xffff, v1;
	_ =	sdelay $0x6  }
0x143: {  	v3 =	vld.idx.msk [tilespmem:v2+s19+$0x0], $0xffff  }
0x144: {  	v1 =	vld.idx.msk [tilespmem:v2+s28+$0x0], $0xffff;
	_ =	sdelay $0x1  }
0x145: {  	v62 =	vld.idx.msk [tilespmem:v2+s26+$0x0], $0xffff;
	v63, _, _ =	vpop (xrf2)  }
0x146: {  	v5 =	vbroadcast v63, $0xF;
	_ =	sdelay $0x1  }
0x147: {  	v1 =	vmul.f32 v1, v3;
	v5 =	vmul.f32 v5, v3;
	_ =	sdelay $0x1  }
0x148: {  	v3 =	vmul.f32 v62, v12;
	v1 =	vadd.f32 v5, v1;
	_ =	sdelay $0x1  }
0x149: {  	v1 =	vadd.f32 v1, v3;
	_ =	sdelay $0x1  }
0x14a: {  	s30 =	sadd.s32 $0x1, s30;
	v1 =	vadd.f32 $3.500000000e+00, v1  }
0x14b: {  	p0 =	sne.s32 s30, s14  }
.Ltmp3:
0x14c: {  	[tilespmem:v2+s29+$0x0] =	vst.idx.msk $0x1, v1;
	(pc) =	sbr.rel @p0 .LBB2_1-.Ltmp3, $4  }
0x14d: {  	[hbm4b:s13+s2] =	stream.linear.scatter [tilespmem:s29], [sflag:$0x2], $0x80, $0x38;
	[tilespmem:$0x1C480] =	vst v63  }
0x14e: {  	_ =	swait.ge [sflag:s15], $0x80  }
0x14f: {  	[sflag:s15] =	ssyncset.done $0x0  }
0x150: {  	[sflag:s15] =	ssyncadd.s32 $0xFFFFFF80  }
0x151: {  	_ =	sfence.sel $0x180000  }
0x152: {  	[bflag:$0x0] =	sbarrier.arrive $0xFFFF  }
0x153: {  	_ =	strace $0x9000004A  }
0x154: {  	s0 =	stileid.u32;
	[bflag:$0x2] =	sbarrier.arrive $0xFFFF  }
0x155: {  	p0 =	sne.s32 s0, $0x0;
	s0 =	rddreg [dreg:$0x7]  }
0x156: {  	s0 =	sadd.s32 @!p0 $0x100000, s0  }
0x157: {  	[sflag:s0] =	ssyncadd.tile.s32 @!p0 $0x1;
	_ =	shalt  }
.Lfunc_end2:
_tile_overlayer_lowered:
.L_overlay_start_2:
0x158: {  	(tag) =	ssettag $0x2  }
0x159: {  	s0 =	rddreg [dreg:$0x0];
	s2 =	stileid.u32  }
0x15a: {  	s1 =	rddreg [dreg:$0x1];
	p0 =	sne.s32 s2, $0x0  }
0x15b: {  	s3 =	rddreg [dreg:$0x2];
	[bflag:$0x3] =	sbarrier.arrive $0xFFFF;
	s2 =	simm.s32 @!p0 $0x1C02  }
0x15c: {  	[timem:s3], [sflag:s2] =	dma.local @!p0 [hbm:s0], s1  }
0x15d: {  	s0 =	simm.s32 @!p0 $0x2  }
0x15e: {  	_ =	swait.ge @!p0 [sflag:s0], s1  }
0x15f: {  	s1 =	ssub.s32 @!p0 $0x0, s1;
	[sflag:s0] =	ssyncset.done @!p0 $0x0  }
0x160: {  	[sflag:s0] =	ssyncadd.s32 @!p0 s1  }
0x161: {  	[bflag:$0x3] =	sbarrier.arrive $0xFFFF  }
0x162: {  	_ =	shalt  }

// kernel: kernel.7.cloned.1.call-start
scs
__scs_entry_jumppad:
0x0: {  	(pc) =	sbr.rel $0x88, $3  }
0x1: {  	(tag) =	ssettag $0x0;
	lr =	simm.s32 $0x1  }
0x2: {  	[smem:$0x3F96] =	sst lr;
	_ =	strace $0xD0000000  }
0x3: {  	_ = 	snop  }
0x4: {  	_ = 	snop  }
0x5: {  	_ = 	snop  }
0x6: {  	_ = 	snop  }
0x7: {  	_ = 	snop  }
__scs_overlays_trampoline_lowered:
0x8: {  	[smem:$0x3FA5] =	sst s0  }
0x9: {  	[smem:$0x3FA6] =	sst s1  }
0xa: {  	[smem:$0x3FA7] =	sst s2  }
0xb: {  	[smem:$0x3FA8] =	sst s3  }
0xc: {  	[smem:$0x3FA9] =	sst s4  }
0xd: {  	[smem:$0x3FAA] =	sst s5  }
0xe: {  	[smem:$0x3FAB] =	sst s6  }
0xf: {  	[smem:$0x3FAC] =	sst s7  }
0x10: {  	[smem:$0x3FAD] =	sst s8  }
0x11: {  	[smem:$0x3FAE] =	sst s9;
	s0 =	simm.s32 @!p0 $0x0  }
0x12: {  	s1 =	sld [smem:$0x3F94];
	s0 =	simm.s32 @p0 $0x1  }
0x13: {  	[smem:$0x3FAF] =	sst s0;
	s0 =	simm.s32 @!p1 $0x0  }
0x14: {  	s2 =	sld [smem:$0x3F93];
	s0 =	simm.s32 @p1 $0x1  }
0x15: {  	[smem:$0x3FB0] =	sst s0;
	s0 =	simm.s32 @!p2 $0x0  }
0x16: {  	s3 =	sld [smem:$0x3FDB];
	s0 =	simm.s32 @p2 $0x1  }
0x17: {  	s4 =	simm.s32 $0x1BF5;
	[smem:$0x3FB2] =	sst s0  }
0x18: {  	s0 =	sld [smem:$0x3F95];
	_ =	swait.ge [sflag:s4], $0x0  }
0x19: {  	s7 =	sld [smem:$0x3F96]  }
0x1a: {  	s8 =	sadd.s32 $0xFFFFE003, lr  }
0x1b: {  	s9 =	sadd.s32 $0xFFFFFEF7, lr;
	s5 =	simm.s32 $0xFFFFFFFF;
	p2 =	slt.u32 s8, $0xFFFFF086  }
0x1c: {  	p1 =	slt.u32 s9, $0xF7A;
	s5 =	simm.s32 @!p2 $0x0  }
0x1d: {  	s5 =	simm.s32 @p1 $0x1;
	p0 =	seq.s32 s7, s2  }
0x1e: {  	s7 =	smul.u32 @!p0 $0xF7A, s2;
	p2 =	seq.s32 @!p0 s5, $0x0  }
0x1f: {  	s9 =	smul.u32 $0xF7A, s1;
	s8 =	simm.s32 @!p0 $0x1BF5;
	p2 =	por !p2, p0  }
0x20: {  	[sflag:s8] =	ssyncset.s32 @!p0 $0xFFFFF086;
	s6 =	sadd.s32 @!p0 s3, s7;
	s7 =	simm.s32 @!p0 $0x108  }
0x21: {  	s3 =	sadd.s32 s3, s9;
	s6 =	sadd.s32 @!p0 $0x88, s6;
	s7 =	simm.s32 @p2 $0x1082  }
0x22: {  	[simem:s7], [sflag:s8] =	dma.local @!p0 [hbm:s6], $0xF7A  }
0x23: {  	s9 =	sor.u32 $0xD0000000, s2;
	s6 =	simm.s32 $0x108;
	_ =	swait.ge @!p0 [sflag:s8], $0x0  }
0x24: {  	s3 =	sadd.s32 $0x88, s3;
	s6 =	simm.s32 @!p1 $0x1082;
	[sflag:s4] =	ssyncset.s32 $0xFFFFF086  }
0x25: {  	[simem:s6], [sflag:s4] =	dma.local [hbm:s3], $0xF7A  }
0x26: {  	[smem:$0x3F96] =	sst s1;
	(tag) =	ssettag s2;
	_ =	strace s9  }
0x27: {  	s1 =	sld [smem:$0x3FA6]  }
0x28: {  	s2 =	sld [smem:$0x3FA7]  }
0x29: {  	s4 =	sld [smem:$0x3FA9]  }
0x2a: {  	p0 =	seq.s32 s5, $0x0;
	s5 =	sld [smem:$0x3FAA]  }
0x2b: {  	s6 =	sld [smem:$0x3FAB]  }
0x2c: {  	s7 =	sld [smem:$0x3FAC]  }
0x2d: {  	s3 =	simm.s32 $0x108;
	s8 =	sld [smem:$0x3FAD]  }
0x2e: {  	s3 =	simm.s32 @!p0 $0x1082;
	s9 =	sld [smem:$0x3FAE]  }
0x2f: {  	lr =	sadd.s32 s0, s3;
	s0 =	sld [smem:$0x3FA5]  }
0x30: {  	s3 =	sld [smem:$0x3FA8]  }
0x31: {  	[smem:$0x3FB1] =	sst s10  }
0x32: {  	s10 =	sld [smem:$0x3FAF];
	_ =	sdelay $0x3  }
0x33: {  	p0 =	seq.s32 s10, $0x1;
	s10 =	sld [smem:$0x3FB1];
	_ =	sdelay $0x3  }
0x34: {  	[smem:$0x3FB1] =	sst s10  }
0x35: {  	s10 =	sld [smem:$0x3FB0];
	_ =	sdelay $0x3  }
0x36: {  	p1 =	seq.s32 s10, $0x1;
	s10 =	sld [smem:$0x3FB1];
	_ =	sdelay $0x3  }
0x37: {  	[smem:$0x3FB1] =	sst s10  }
0x38: {  	s10 =	sld [smem:$0x3FB2]  }
0x39: {  	_ = 	snop;
	(pc) =	sbr.ind lr, $3  }
0x3a: {  	_ = 	snop  }
0x3b: {  	_ = 	snop  }
0x3c: {  	p2 =	seq.s32 s10, $0x1;
	s10 =	sld [smem:$0x3FB1]  }
0x3d: {  	_ =	shalt  }
0x3e: {  	_ =	shalt  }
0x3f: {  	_ =	shalt  }
0x40: {  	_ =	shalt  }
0x41: {  	_ =	shalt  }
0x42: {  	_ =	shalt  }
0x43: {  	_ =	shalt  }
0x44: {  	_ =	shalt  }
0x45: {  	_ =	shalt  }
0x46: {  	_ =	shalt  }
0x47: {  	_ =	shalt  }
0x48: {  	_ =	shalt  }
0x49: {  	_ =	shalt  }
0x4a: {  	_ =	shalt  }
0x4b: {  	_ =	shalt  }
0x4c: {  	_ =	shalt  }
0x4d: {  	_ =	shalt  }
0x4e: {  	_ =	shalt  }
0x4f: {  	_ =	shalt  }
0x50: {  	_ =	shalt  }
0x51: {  	_ =	shalt  }
0x52: {  	_ =	shalt  }
0x53: {  	_ =	shalt  }
0x54: {  	_ =	shalt  }
0x55: {  	_ =	shalt  }
0x56: {  	_ =	shalt  }
0x57: {  	_ =	shalt  }
0x58: {  	_ =	shalt  }
0x59: {  	_ =	shalt  }
0x5a: {  	_ =	shalt  }
0x5b: {  	_ =	shalt  }
0x5c: {  	_ =	shalt  }
0x5d: {  	_ =	shalt  }
0x5e: {  	_ =	shalt  }
0x5f: {  	_ =	shalt  }
0x60: {  	_ =	shalt  }
0x61: {  	_ =	shalt  }
0x62: {  	_ =	shalt  }
0x63: {  	_ =	shalt  }
0x64: {  	_ =	shalt  }
0x65: {  	_ =	shalt  }
0x66: {  	_ =	shalt  }
0x67: {  	_ =	shalt  }
0x68: {  	_ =	shalt  }
0x69: {  	_ =	shalt  }
0x6a: {  	_ =	shalt  }
0x6b: {  	_ =	shalt  }
0x6c: {  	_ =	shalt  }
0x6d: {  	_ =	shalt  }
0x6e: {  	_ =	shalt  }
0x6f: {  	_ =	shalt  }
0x70: {  	_ =	shalt  }
0x71: {  	_ =	shalt  }
0x72: {  	_ =	shalt  }
0x73: {  	_ =	shalt  }
0x74: {  	_ =	shalt  }
0x75: {  	_ =	shalt  }
0x76: {  	_ =	shalt  }
0x77: {  	_ =	shalt  }
0x78: {  	_ =	shalt  }
0x79: {  	_ =	shalt  }
0x7a: {  	_ =	shalt  }
0x7b: {  	_ =	shalt  }
0x7c: {  	_ =	shalt  }
0x7d: {  	_ =	shalt  }
0x7e: {  	_ =	shalt  }
0x7f: {  	_ =	shalt  }
0x80: {  	_ =	shalt  }
0x81: {  	_ =	shalt  }
0x82: {  	_ =	shalt  }
0x83: {  	_ =	shalt  }
0x84: {  	_ =	shalt  }
0x85: {  	_ =	shalt  }
0x86: {  	_ =	shalt  }
0x87: {  	_ =	shalt  }
.Lfunc_end0:
.L_simem_size_0:
called_computation_lowered:
.L_overlay_start_0:
0x88: {  	s2 =	sld [smem:$0x3FD9]  }
0x89: {  	s3 =	sld [smem:$0x3FFE];
	_ =	sdelay $0x1  }
0x8a: {  	s1 =	srdreg.scid  }
0x8b: {  	s0 =	sand.u32 $0x1, s1  }
0x8c: {  	s16 =	sshll.u32 s0, $0xA;
	s2 =	sadd.s32 s3, s2  }
0x8d: {  	s2 =	sadd.s32 s2, s16  }
0x8e: {  	[smem:$0x3FBD] =	sst s2  }
0x8f: {  	_ = 	snop  }
0x90: {  	(tm) =	ssettm $0x1  }
0x91: {  	s17 =	sld [smem:$0x3FFB];
	_ =	sdelay $0x3  }
0x92: {  	_ =	strace s17  }
0x93: {  	s2 =	sld [smem:$0x3FFC];
	_ =	sdelay $0x3  }
0x94: {  	_ =	strace s2  }
0x95: {  	s2 =	sld [smem:$0x3FFD];
	_ =	sdelay $0x3  }
0x96: {  	_ =	strace s2  }
0x97: {  	_ =	strace $0x8FFFFFFF  }
0x98: {  	s18 =	sld [smem:$0x3FDB];
	_ =	sdelay $0x1  }
0x99: {  	s19 =	simm.s32 $_scs_section_size  }
0x9a: {  	s4 =	simm.s32 $_size__tile_overlayer_lowered;
	s5 =	simm.s32 $_tile_overlayer_lowered  }
0x9b: {  	s22 =	simm.s32 $0x1BFF;
	s21 =	sshll.u32 s5, $0x1;
	s2 =	sadd.s32 s19, s18  }
0x9c: {  	s6 =	simm.s32 $0x0;
	s20 =	sshll.u32 s4, $0x1;
	s4 =	sadd.s32 s21, s2  }
0x9d: {  	[timem:s6], [sflag:s22] =	dma.local [hbm:s4], s20  }
0x9e: {  	_ =	swait.ge [sflag:s22], s20  }
0x9f: {  	s3 =	ssub.s32 $0x0, s20;
	[sflag:s22] =	ssyncset.done $0x0  }
0xa0: {  	[sflag:s22] =	ssyncadd.s32 s3;
	_ =	sdelay $0x1  }
0xa1: {  	s23 =	simm.s32 $0x1B8B  }
0xa2: {  	_ =	swait.ge [sflag:s23], $0x1  }
0xa3: {  	[sflag:s23] =	ssyncset.done $0x0  }
0xa4: {  	s25 =	simm.s32 $0x1B8E;
	s24 =	sld [smem:$0x3FFE];
	[sflag:s23] =	ssyncadd.s32 $0xFFFFFFFF  }
0xa5: {  	s26 =	simm.s32 $execute0_lowered;
	[smem:$0x3FD2] =	sst s25  }
0xa6: {  	s4 =	sshll.u32 s26, $0x1;
	_ =	strace $0x80000046;
	[dreg:$0x1] =	wrdreg $0xFFFFFFFF  }
0xa7: {  	s28 =	simm.s32 $_size_execute0_lowered;
	s2 =	sadd.s32 s2, s4;
	[dreg:$0x0] =	wrdreg $0x0  }
0xa8: {  	s4 =	sshll.u32 s28, $0x1;
	[dreg:$0x2] =	wrdreg s2  }
0xa9: {  	[dreg:$0x3] =	wrdreg s4  }
0xaa: {  	[dreg:$0x4] =	wrdreg $0xC0  }
0xab: {  	_ =	task [dreg:s6], $0x5FFFF  }
0xac: {  	[dreg:$0x1] =	wrdreg $0xFFFFFFFF  }
0xad: {  	[dreg:$0x0] =	wrdreg $0x60  }
0xae: {  	[dreg:$0x2] =	wrdreg s24  }
0xaf: {  	[dreg:$0x3] =	wrdreg $0x9  }
0xb0: {  	_ =	task.clear_ibuf [dreg:s6], $0x4FFFF;
	_ =	strace $0x90000046  }
0xb1: {  	s29 =	simm.s32 $0x9;
	_ =	strace $0x80000048  }
0xb2: {  	_ =	swait.ge [sflag:s29], $0x1  }
0xb3: {  	[sflag:s29] =	ssyncadd.s32 $0xFFFFFFFF  }
0xb4: {  	_ =	strace $0x90000048  }
0xb5: {  	_ =	sfence  }
0xb6: {  	s30 =	sld [smem:$0x0];
	_ =	sdelay $0x2  }
0xb7: {  	s31 =	sshll.u32 s1, $0xD;
	s1 =	sshrl.u32 s1, $0x2  }
0xb8: {  	s3 =	sand.u32 $0x4000, s31;
	s1 =	sadd.s32 s1, s30  }
0xb9: {  	s0 =	sor.u32 s3, s0;
	s1 =	sshll.u32 s1, $0x11  }
0xba: {  	s0 =	sor.u32 s1, s0  }
0xbb: {  	s0 =	sadd.s32 $0x8F2B, s0  }
0xbc: {  	[sflag:s0] =	ssyncadd.remote.s32 $0x1  }
0xbd: {  	_ =	sfence.sel $0xFFFF  }
0xbe: {  	[dreg:$0x0] =	wrdreg $0xFFFFFFFF;
	(pc) =	sbr.abs _section_cstart, $3  }
0xbf: {  	[dreg:$0x1] =	wrdreg $0xFFFFFFFF  }
0xc0: {  	_ =	task.clear_ibuf [dreg:s6], $0x2FFFF;
	_ =	strace $0x9FFFFFFF  }
0xc1: {  	(tm) =	ssettm $0x7FFFFFFF  }
tec
execute0_lowered:
.L_overlay_start_1:
0x0: {  	(tag) =	ssettag $0x1  }
0x1: {  	s1 =	srdreg.scid  }
0x2: {  	s0 =	stileid.u32;
	s4 =	rddreg [dreg:$0x0]  }
0x3: {  	s2 =	simm.s32 $0x0;
	s8 =	simm.s32 $0x32;
	s9 =	simm.s32 $0x1C00  }
0x4: {  	s10 =	simm.s32 $0x4E00;
	s11 =	simm.s32 $0x1;
	s12 =	simm.s32 $0x2  }
0x5: {  	s13 =	simm.s32 $0x8000;
	s14 =	simm.s32 $0x0;
	s3 =	sand.u32 $0x1, s1  }
0x6: {  	s5 =	sshll.u32 s0, $0x8;
	[smem:$0x7FF] =	sst s2;
	s6 =	sshll.u32 s3, $0x7  }
0x7: {  	s1 =	rddreg [dreg:$0x1];
	_ =	strace $0x80000047;
	s5 =	sor.u32 s6, s5  }
0x8: {  	s7 =	ssub.s32 $0x2, s3;
	s6 =	smul.u32 $0x7, s5;
	s5 =	sshll.u32 s5, $0x5  }
0x9: {  	s3 =	sadd.s32 $0x400, s4;
	s31 =	sshrl.u32 s7, $0x1;
	s5 =	sadd.s32 s5, s4  }
0xa: {  	s7 =	ssub.s32 s7, s31;
	s6 =	sadd.s32 s6, s4;
	s5 =	sadd.s32 $0x315400, s5  }
0xb: {  	s4 =	sadd.s32 $0x30E400, s6;
	s6 =	smax.u32 s7, $0x1;
	s7 =	simm.s32 $0x3  }
.LBB2_1:
0xc: {  	[tilespmem:s2], [sflag:$0x3] =	stream.linear.gather [hbm4b:s4+s2], $0x1C00, $0x38;
	[tilespmem:$0x10000] =	vst v63  }
0xd: {  	_ =	swait.ge [sflag:s7], $0x1C00  }
0xe: {  	[sflag:s7] =	ssyncset.done $0x0  }
0xf: {  	s15 =	simm.s32 $0x0;
	[sflag:s7] =	ssyncadd.s32 $0xFFFFE400  }
0x10: {  	[tilespmem:s9], [sflag:$0x1] =	stream.indirect.gather [hbm4b:s3+s8], $0x100, s2, s8, $0xb8;
	[tilespmem:$0x10000] =	vst v63  }
.LBB2_2:
0x11: {  	s16 =	sshllo.u32 s15, $0x1  }
0x12: {  	s17 =	smul.u32 $0xE0, s16;
	_ =	sdelay $0x1  }
0x13: {  	s17 =	sshra.s32 s17, $0x2  }
0x14: {  	[tilespmem:s10], [sflag:$0x2] =	stream.indirect.gather [hbm4b:s3+s8], $0x100, s17, s8, $0xb8;
	[tilespmem:$0x10000] =	vst v63  }
0x15: {  	_ =	swait.ge [sflag:s11], $0x3200  }
0x16: {  	[sflag:s11] =	ssyncset.done $0x0  }
0x17: {  	s19 =	simm.s32 $0x0;
	[sflag:s11] =	ssyncadd.s32 $0xFFFFCE00  }
0x18: {  	v0 =	vld [tilespmem:s19+$0x1CC0]  }
0x19: {  	v2 =	vld [tilespmem:s19+$0x1C00]  }
0x1a: {  	v3 =	vld [tilespmem:s19+$0x1C10]  }
0x1b: {  	v4 =	vld [tilespmem:s19+$0x1C20]  }
0x1c: {  	v5 =	vld [tilespmem:s19+$0x1C30]  }
0x1d: {  	v6 =	vld [tilespmem:s19+$0x1C40]  }
0x1e: {  	v8 =	vld [tilespmem:s19+$0x1C50]  }
0x1f: {  	v17 =	vld [tilespmem:s19+$0x1C60]  }
0x20: {  	v1 =	vimm.f32 $0.0e+00  }
0x21: {  	v14 =	vld [tilespmem:s19+$0x1C70];
	v0 =	vadd.f32 v0, v1;
	v12 =	vadd.f32 v2, v1  }
0x22: {  	v15 =	vld [tilespmem:s19+$0x1C80];
	v11 =	vadd.f32 v3, v1;
	v9 =	vadd.f32 v4, v1  }
0x23: {  	v16 =	vld [tilespmem:s19+$0x1C90];
	v10 =	vadd.f32 v5, v1;
	v7 =	vadd.f32 v6, v1  }
0x24: {  	v13 =	vld [tilespmem:s19+$0x1CA0];
	v5 =	vadd.f32 v8, v1;
	v3 =	vadd.f32 v17, v1;
	v6 =	vimm.f32 $0.0e+00  }
0x25: {  	s18 =	simm.s32 $0x800;
	s17 =	simm.s32 $0x100;
	v17 =	vld [tilespmem:s19+$0x1CB0];
	v8 =	vimm.f32 $0.0e+00;
	v4 =	vimm.f32 $0.0e+00;
	v2 =	vimm.f32 $0.0e+00  }
.LBB2_3:
0x26: {  	p0 =	sne.s32 s18, $0xC400;
	v18 =	vld [tilespmem:s17+$0x1CC0];
	v1 =	vadd.f32 v14, v1  }
0x27: {  	v14 =	vld [tilespmem:s17+$0x1C00];
	v6 =	vadd.f32 v15, v6  }
0x28: {  	v15 =	vld [tilespmem:s17+$0x1C10];
	v8 =	vadd.f32 v16, v8  }
0x29: {  	v16 =	vld [tilespmem:s17+$0x1C20];
	v4 =	vadd.f32 v13, v4  }
0x2a: {  	v13 =	vld [tilespmem:s17+$0x1C30];
	v2 =	vadd.f32 v17, v2  }
0x2b: {  	v17 =	vld [tilespmem:s17+$0x1C40];
	v0 =	vadd.f32 v18, v0  }
0x2c: {  	v12 =	vadd.f32 v14, v12;
	v18 =	vld [tilespmem:s17+$0x1C50]  }
0x2d: {  	v11 =	vadd.f32 v15, v11;
	v19 =	vld [tilespmem:s17+$0x1C60]  }
.Ltmp0:
0x2e: {  	v9 =	vadd.f32 v16, v9;
	v14 =	vld [tilespmem:s17+$0x1C70];
	(pc) =	sbr.rel @p0 .LBB2_3-.Ltmp0, $4  }
0x2f: {  	v10 =	vadd.f32 v13, v10;
	v15 =	vld [tilespmem:s17+$0x1C80]  }
0x30: {  	v7 =	vadd.f32 v17, v7;
	v16 =	vld [tilespmem:s17+$0x1C90]  }
0x31: {  	v5 =	vadd.f32 v18, v5;
	v13 =	vld [tilespmem:s17+$0x1CA0]  }
0x32: {  	v3 =	vadd.f32 v19, v3;
	v17 =	vld [tilespmem:s17+$0x1CB0];
	s17 =	sshra.s32 s18, $0x2;
	s18 =	sadd.s32 $0x400, s18  }
0x33: {  	v18 =	vld [tilespmem:s17+$0x1CC0]  }
0x34: {  	v19 =	vld [tilespmem:s17+$0x1C00]  }
0x35: {  	v20 =	vld [tilespmem:s17+$0x1C10]  }
0x36: {  	v21 =	vld [tilespmem:s17+$0x1C20]  }
0x37: {  	v22 =	vld [tilespmem:s17+$0x1C30]  }
0x38: {  	v23 =	vld [tilespmem:s17+$0x1C40]  }
0x39: {  	v24 =	vld [tilespmem:s17+$0x1C50]  }
0x3a: {  	v25 =	vld [tilespmem:s17+$0x1C60]  }
0x3b: {  	v26 =	vld [tilespmem:s17+$0x1C70]  }
0x3c: {  	v27 =	vld [tilespmem:s17+$0x1C80]  }
0x3d: {  	v28 =	vld [tilespmem:s17+$0x1C90];
	s18 =	sshll.u32 s15, $0x9;
	v12 =	vadd.f32 v19, v12  }
0x3e: {  	v63 =	vld [tilespmem:s17+$0x1CB0];
	s30 =	sand.u32 $0x3FFFFE00, s18;
	v11 =	vadd.f32 v20, v11  }
0x3f: {  	v19 =	vld [tilespmem:s17+$0x1CA0];
	v9 =	vadd.f32 v21, v9;
	[tilespmem:s30+$0x8000] =	vst v12  }
0x40: {  	v10 =	vadd.f32 v22, v10;
	[tilespmem:s30+$0x8010] =	vst v11  }
0x41: {  	v7 =	vadd.f32 v23, v7;
	[tilespmem:s30+$0x8020] =	vst v9  }
0x42: {  	v1 =	vadd.f32 v14, v1;
	v5 =	vadd.f32 v24, v5;
	[tilespmem:s30+$0x8030] =	vst v10  }
0x43: {  	v3 =	vadd.f32 v25, v3;
	[tilespmem:s30+$0x8040] =	vst v7  }
0x44: {  	v2 =	vadd.f32 v17, v2;
	v1 =	vadd.f32 v26, v1;
	[tilespmem:s30+$0x8050] =	vst v5  }
0x45: {  	v6 =	vadd.f32 v15, v6;
	v0 =	vadd.f32 v18, v0;
	[tilespmem:s30+$0x8060] =	vst v3  }
0x46: {  	v2 =	vadd.f32 v63, v2;
	v7 =	vadd.f32 v16, v8;
	[tilespmem:s30+$0x8070] =	vst v1  }
0x47: {  	p0 =	seq.s32 s15, $0x3F;
	v4 =	vadd.f32 v13, v4;
	v5 =	vadd.f32 v27, v6;
	[tilespmem:s30+$0x80C0] =	vst v0  }
0x48: {  	s18 =	smul.u32 @!p0 $0x1C0, s15;
	[tilespmem:s30+$0x80B0] =	vst v2;
	v3 =	vadd.f32 v28, v7  }
0x49: {  	[tilespmem:s30+$0x8080] =	vst v5;
	v1 =	vadd.f32 v19, v4  }
0x4a: {  	s18 =	sshra.s32 @!p0 s18, $0x2;
	[tilespmem:s30+$0x8090] =	vst v3  }
0x4b: {  	s19 =	simm.s32 @!p0 $0x1C00;
	s17 =	sadd.s32 @!p0 $0x70, s18;
	s18 =	simm.s32 @!p0 $0x32;
	[tilespmem:s30+$0x80A0] =	vst v1  }
0x4c: {  	[tilespmem:s19], [sflag:$0x1] =	stream.indirect.gather @!p0 [hbm4b:s3+s18], $0x100, s17, s18, $0xb8;
	[tilespmem:$0x10000] =	vst v63  }
0x4d: {  	_ =	swait.ge [sflag:s12], $0x3200  }
0x4e: {  	[sflag:s12] =	ssyncset.done $0x0  }
0x4f: {  	s31 =	simm.s32 $0x0;
	[sflag:s12] =	ssyncadd.s32 $0xFFFFCE00  }
0x50: {  	v0 =	vld [tilespmem:s31+$0x4EC0]  }
0x51: {  	v2 =	vld [tilespmem:s31+$0x4E00]  }
0x52: {  	v3 =	vld [tilespmem:s31+$0x4E10]  }
0x53: {  	v4 =	vld [tilespmem:s31+$0x4E20]  }
0x54: {  	v5 =	vld [tilespmem:s31+$0x4E30]  }
0x55: {  	v6 =	vld [tilespmem:s31+$0x4E40]  }
0x56: {  	v8 =	vld [tilespmem:s31+$0x4E50]  }
0x57: {  	v17 =	vld [tilespmem:s31+$0x4E60]  }
0x58: {  	v1 =	vimm.f32 $0.0e+00  }
0x59: {  	v14 =	vld [tilespmem:s31+$0x4E70];
	v0 =	vadd.f32 v0, v1;
	v12 =	vadd.f32 v2, v1  }
0x5a: {  	v15 =	vld [tilespmem:s31+$0x4E80];
	v11 =	vadd.f32 v3, v1;
	v9 =	vadd.f32 v4, v1  }
0x5b: {  	v16 =	vld [tilespmem:s31+$0x4E90];
	v10 =	vadd.f32 v5, v1;
	v7 =	vadd.f32 v6, v1  }
0x5c: {  	v13 =	vld [tilespmem:s31+$0x4EA0];
	v5 =	vadd.f32 v8, v1;
	v3 =	vadd.f32 v17, v1;
	v6 =	vimm.f32 $0.0e+00  }
0x5d: {  	s17 =	simm.s32 $0x100;
	s18 =	simm.s32 $0x800;
	v17 =	vld [tilespmem:s31+$0x4EB0];
	v8 =	vimm.f32 $0.0e+00;
	v4 =	vimm.f32 $0.0e+00;
	v2 =	vimm.f32 $0.0e+00  }
.LBB2_5:
0x5e: {  	p0 =	sne.s32 s18, $0xC400;
	v18 =	vld [tilespmem:s17+$0x4EC0];
	v1 =	vadd.f32 v14, v1  }
0x5f: {  	v14 =	vld [tilespmem:s17+$0x4E00];
	v6 =	vadd.f32 v15, v6  }
0x60: {  	v15 =	vld [tilespmem:s17+$0x4E10];
	v8 =	vadd.f32 v16, v8  }
0x61: {  	v16 =	vld [tilespmem:s17+$0x4E20];
	v4 =	vadd.f32 v13, v4  }
0x62: {  	v13 =	vld [tilespmem:s17+$0x4E30];
	v2 =	vadd.f32 v17, v2  }
0x63: {  	v17 =	vld [tilespmem:s17+$0x4E40];
	v0 =	vadd.f32 v18, v0  }
0x64: {  	v12 =	vadd.f32 v14, v12;
	v18 =	vld [tilespmem:s17+$0x4E50]  }
0x65: {  	v11 =	vadd.f32 v15, v11;
	v19 =	vld [tilespmem:s17+$0x4E60]  }
.Ltmp1:
0x66: {  	v9 =	vadd.f32 v16, v9;
	v14 =	vld [tilespmem:s17+$0x4E70];
	(pc) =	sbr.rel @p0 .LBB2_5-.Ltmp1, $4  }
0x67: {  	v10 =	vadd.f32 v13, v10;
	v15 =	vld [tilespmem:s17+$0x4E80]  }
0x68: {  	v7 =	vadd.f32 v17, v7;
	v16 =	vld [tilespmem:s17+$0x4E90]  }
0x69: {  	v5 =	vadd.f32 v18, v5;
	v13 =	vld [tilespmem:s17+$0x4EA0]  }
0x6a: {  	v3 =	vadd.f32 v19, v3;
	v17 =	vld [tilespmem:s17+$0x4EB0];
	s17 =	sshra.s32 s18, $0x2;
	s18 =	sadd.s32 $0x400, s18  }
0x6b: {  	v18 =	vld [tilespmem:s17+$0x4EC0]  }
0x6c: {  	v19 =	vld [tilespmem:s17+$0x4E00]  }
0x6d: {  	v20 =	vld [tilespmem:s17+$0x4E10]  }
0x6e: {  	v21 =	vld [tilespmem:s17+$0x4E20]  }
0x6f: {  	v22 =	vld [tilespmem:s17+$0x4E30]  }
0x70: {  	v23 =	vld [tilespmem:s17+$0x4E40]  }
0x71: {  	v24 =	vld [tilespmem:s17+$0x4E50]  }
0x72: {  	v25 =	vld [tilespmem:s17+$0x4E60]  }
0x73: {  	v26 =	vld [tilespmem:s17+$0x4E70]  }
0x74: {  	v27 =	vld [tilespmem:s17+$0x4E80]  }
0x75: {  	v28 =	vld [tilespmem:s17+$0x4E90];
	s16 =	sshll.u32 s16, $0x8;
	v12 =	vadd.f32 v19, v12  }
0x76: {  	v58 =	vld [tilespmem:s17+$0x4EA0];
	s16 =	sand.u32 $0x3FFFFF00, s16;
	v11 =	vadd.f32 v20, v11  }
0x77: {  	v59 =	vld [tilespmem:s17+$0x4EB0];
	v9 =	vadd.f32 v21, v9;
	[tilespmem:s16+$0x8000] =	vst v12  }
0x78: {  	v10 =	vadd.f32 v22, v10;
	[tilespmem:s16+$0x8010] =	vst v11  }
0x79: {  	v7 =	vadd.f32 v23, v7;
	[tilespmem:s16+$0x8020] =	vst v9  }
0x7a: {  	v1 =	vadd.f32 v14, v1;
	v5 =	vadd.f32 v24, v5;
	[tilespmem:s16+$0x8030] =	vst v10  }
0x7b: {  	v6 =	vadd.f32 v15, v6;
	v3 =	vadd.f32 v25, v3;
	[tilespmem:s16+$0x8040] =	vst v7  }
0x7c: {  	v60 =	vadd.f32 v16, v8;
	v1 =	vadd.f32 v26, v1;
	[tilespmem:s16+$0x8050] =	vst v5  }
0x7d: {  	s15 =	sadd.s32 $0x1, s15;
	v4 =	vadd.f32 v13, v4;
	v61 =	vadd.f32 v27, v6;
	[tilespmem:s16+$0x8060] =	vst v3  }
0x7e: {  	p0 =	sne.s32 s15, $0x40;
	v62 =	vadd.f32 v28, v60;
	[tilespmem:s16+$0x8070] =	vst v1  }
.Ltmp2:
0x7f: {  	v2 =	vadd.f32 v17, v2;
	v63 =	vadd.f32 v58, v4;
	[tilespmem:s16+$0x8080] =	vst v61;
	(pc) =	sbr.rel @p0 .LBB2_2-.Ltmp2, $4  }
0x80: {  	v0 =	vadd.f32 v18, v0;
	[tilespmem:s16+$0x8090] =	vst v62  }
0x81: {  	v2 =	vadd.f32 v59, v2;
	[tilespmem:s16+$0x80A0] =	vst v63  }
0x82: {  	[tilespmem:s16+$0x80C0] =	vst v0  }
0x83: {  	[tilespmem:s16+$0x80B0] =	vst v2  }
0x84: {  	s14 =	sadd.s32 $0x1, s14  }
0x85: {  	p0 =	sne.s32 s14, s6  }
.Ltmp3:
0x86: {  	_ = 	snop;
	(pc) =	sbr.rel @p0 .LBB2_1-.Ltmp3, $4  }
0x87: {  	[hbm4b:s5+s2] =	stream.linear.scatter [tilespmem:s13], [sflag:$0x3], $0x8000, $0x38;
	[tilespmem:$0x10000] =	vst v63  }
0x88: {  	_ =	swait.ge [sflag:s7], $0x8000  }
0x89: {  	[sflag:s7] =	ssyncset.done $0x0  }
0x8a: {  	[sflag:s7] =	ssyncadd.s32 $0xFFFF8000  }
0x8b: {  	_ =	sfence.sel $0x180000  }
0x8c: {  	[bflag:$0x0] =	sbarrier.arrive $0xFFFF  }
0x8d: {  	p0 =	sne.s32 s0, $0x0;
	_ =	strace $0x90000047  }
0x8e: {  	s0 =	sadd.s32 @!p0 $0x100000, s1;
	[bflag:$0x2] =	sbarrier.arrive $0xFFFF  }
0x8f: {  	[sflag:s0] =	ssyncadd.tile.s32 @!p0 $0x1;
	_ =	shalt  }
.Lfunc_end2:
_tile_overlayer_lowered:
.L_overlay_start_2:
0x90: {  	(tag) =	ssettag $0x2  }
0x91: {  	s0 =	rddreg [dreg:$0x0];
	s2 =	stileid.u32  }
0x92: {  	s1 =	rddreg [dreg:$0x1];
	p0 =	sne.s32 s2, $0x0  }
0x93: {  	s3 =	rddreg [dreg:$0x2];
	[bflag:$0x3] =	sbarrier.arrive $0xFFFF;
	s2 =	simm.s32 @!p0 $0x1C03  }
0x94: {  	[timem:s3], [sflag:s2] =	dma.local @!p0 [hbm:s0], s1  }
0x95: {  	s0 =	simm.s32 @!p0 $0x3  }
0x96: {  	_ =	swait.ge @!p0 [sflag:s0], s1  }
0x97: {  	s1 =	ssub.s32 @!p0 $0x0, s1;
	[sflag:s0] =	ssyncset.done @!p0 $0x0  }
0x98: {  	[sflag:s0] =	ssyncadd.s32 @!p0 s1  }
0x99: {  	[bflag:$0x3] =	sbarrier.arrive $0xFFFF  }
0x9a: {  	_ =	shalt  }

</sc_bundles>
